<compile_context>
chip_gen: v7x
topology: tpu7x:2x2x1
jax: 0.10.2.dev20260603
libtpu: 0.0.44.dev20260713+nightly
codegen_flags: <defaults>
</compile_context>

<pallas_src>
import functools

import numpy as np
import jax
import jax.numpy as jnp
from jax import lax
from jax.experimental import pallas as pl
from jax.experimental.pallas import tpu as pltpu
from jax.experimental.pallas import tpu_sc as plsc


def _positional_encoding(sequence_length, embedding_depth):
    half = embedding_depth / 2
    positions = np.arange(sequence_length)[:, np.newaxis]
    depths = np.arange(half)[np.newaxis, :] / half
    angle_rates = 1 / 10000 ** depths
    angle_rads = positions * angle_rates
    enc = np.concatenate([np.sin(angle_rads), np.cos(angle_rads)], axis=-1)
    return enc.astype(np.float32)


_B, _T, _D = 4096, 200, 64
_CHUNK = 100
_NB = 4
_NW = 32
_NCHUNK = (_B * _T) // (_CHUNK * _NW)
_GROUPS = _NCHUNK // _NB
_LANES = 16


def _build():
    mesh = plsc.VectorSubcoreMesh(core_axis_name="c", subcore_axis_name="s")
    out_type = jax.ShapeDtypeStruct((_B * _T * _D,), jnp.float32)
    scratch = [
        pltpu.VMEM((_NCHUNK, _CHUNK), jnp.int32),
        pltpu.VMEM((_T, _D), jnp.float32),
    ]
    scratch += [pltpu.VMEM((_CHUNK, _D), jnp.float32) for _ in range(_NB)]
    scratch += [pltpu.VMEM((_CHUNK * _D,), jnp.float32) for _ in range(_NB)]
    scratch += [pltpu.SemaphoreType.DMA] * (2 * _NB)

    @functools.partial(pl.kernel, mesh=mesh, out_type=out_type,
                       scratch_types=scratch,
                       compiler_params=pltpu.CompilerParams(
                           use_tc_tiling_on_sc=False))
    def k(xr, table, pos, out, idx_v, pos_v, *rest):
        gb = rest[0:_NB]
        ob = rest[_NB:2 * _NB]
        gsem = rest[2 * _NB:3 * _NB]
        wsem = rest[3 * _NB:4 * _NB]

        wid = lax.axis_index("s") * 2 + lax.axis_index("c")
        row0 = wid * _NCHUNK
        out0 = wid * _NCHUNK * _CHUNK * _D

        pltpu.sync_copy(xr.at[pl.ds(row0, _NCHUNK)], idx_v)
        pltpu.sync_copy(pos, pos_v)

        def gather(j, b):
            return pltpu.make_async_copy(table.at[idx_v.at[j]], gb[b], gsem[b])

        def write(j, b):
            dst = out.at[pl.ds(out0 + j * _CHUNK * _D, _CHUNK * _D)]
            return pltpu.make_async_copy(ob[b], dst, wsem[b])

        for b in range(_NB):
            gather(b, b).start()

        def group(gi, carry):
            for b in range(_NB):
                j = gi * _NB + b
                gather(j, b).wait()

                @pl.when(gi > 0)
                def _():
                    write(j - _NB, b).wait()

                prow0 = (j % 2) * _CHUNK

                def add_row(r, c):
                    pr = prow0 + r
                    for d in range(_D // _LANES):
                        sl = pl.ds(d * _LANES, _LANES)
                        osl = pl.ds(r * _D + d * _LANES, _LANES)
                        ob[b][osl] = gb[b][r, sl] + pos_v[pr, sl]
                    return c

                lax.fori_loop(0, _CHUNK, add_row, 0)
                write(j, b).start()

                @pl.when(j + _NB < _NCHUNK)
                def _():
                    gather(j + _NB, b).start()
            return carry

        lax.fori_loop(0, _GROUPS, group, 0)
        for b in range(_NB):
            write(_NCHUNK - _NB + b, b).wait()

    return k


_KERNEL = _build()


def kernel(x, table):
    xr = x.reshape(_B * _T // _CHUNK, _CHUNK).astype(jnp.int32)
    pos = jnp.asarray(_positional_encoding(_T, _D))
    out = _KERNEL(xr, table, pos)
    return out.reshape(_B, _T, _D)

# --- scband reference (transcript-rebuilt; emitter-appended) ---
"""Pipeline reference for scband-embedding-layer-64819646431235 (READ-ONLY COPY).

The authoritative reference and input builder live on the scoring server;
editing this copy changes nothing except your own understanding.
"""

import jax, jax.numpy as jnp
import numpy as np


def positional_encoding(sequence_length, embedding_depth):
    embedding_depth = embedding_depth / 2
    positions = np.arange(sequence_length)[:, np.newaxis]
    depths = np.arange(embedding_depth)[np.newaxis, :] / embedding_depth
    angle_rates = 1 / 10000 ** depths
    angle_rads = positions * angle_rates
    pos_encoding = np.concatenate([np.sin(angle_rads), np.cos(angle_rads)], axis=-1)
    return jnp.asarray(pos_encoding, dtype=jnp.float32)


def setup_inputs(seed: int = 0):
    key = jax.random.key(seed)
    k1, k2 = jax.random.split(key)
    x = jax.random.randint(k1, (4096, 200), 0, 1000000)
    table = jax.random.normal(k2, (1000000, 64), dtype=jnp.float32) * 0.05
    return {"x": x, "table": table}


def reference(x, table):
    # word embedding lookup (mask_zero only affects downstream masking, not values)
    y1 = jnp.take(table, x, axis=0)
    # fixed positional encoding, broadcast over batch
    pos = positional_encoding(x.shape[-1], table.shape[-1])
    y = y1 + pos
    return y

if __name__ == "__main__":
    import jax
    _d = setup_inputs()
    print(jax.jit(kernel)(*tuple(_d.values())))

</pallas_src>

<mosaic_0001>
#map = affine_map<(d0, d1) -> (0, 0)>
#map1 = affine_map<(d0, d1) -> (0)>
module attributes {stable_mosaic.version = 14 : i64} {
  func.func @k(%arg0: i32, %arg1: i32, %arg2: memref<8192x100xi32, #tpu.memory_space<hbm>>, %arg3: memref<1000000x64xf32, #tpu.memory_space<hbm>>, %arg4: memref<200x64xf32, #tpu.memory_space<hbm>>, %arg5: memref<52428800xf32, #tpu.memory_space<hbm>>, %arg6: memref<256x100xi32, #tpu.memory_space<vmem>>, %arg7: memref<200x64xf32, #tpu.memory_space<vmem>>, %arg8: memref<100x64xf32, #tpu.memory_space<vmem>>, %arg9: memref<100x64xf32, #tpu.memory_space<vmem>>, %arg10: memref<100x64xf32, #tpu.memory_space<vmem>>, %arg11: memref<100x64xf32, #tpu.memory_space<vmem>>, %arg12: memref<6400xf32, #tpu.memory_space<vmem>>, %arg13: memref<6400xf32, #tpu.memory_space<vmem>>, %arg14: memref<6400xf32, #tpu.memory_space<vmem>>, %arg15: memref<6400xf32, #tpu.memory_space<vmem>>, %arg16: memref<!tpu.dma_semaphore, #tpu.memory_space<semaphore_mem>>, %arg17: memref<!tpu.dma_semaphore, #tpu.memory_space<semaphore_mem>>, %arg18: memref<!tpu.dma_semaphore, #tpu.memory_space<semaphore_mem>>, %arg19: memref<!tpu.dma_semaphore, #tpu.memory_space<semaphore_mem>>, %arg20: memref<!tpu.dma_semaphore, #tpu.memory_space<semaphore_mem>>, %arg21: memref<!tpu.dma_semaphore, #tpu.memory_space<semaphore_mem>>, %arg22: memref<!tpu.dma_semaphore, #tpu.memory_space<semaphore_mem>>, %arg23: memref<!tpu.dma_semaphore, #tpu.memory_space<semaphore_mem>>) attributes {dimension_semantics = [#tpu.dimension_semantics<core_parallel>, #tpu.dimension_semantics<subcore_parallel>], iteration_bounds = array<i64: 2, 16>, scalar_prefetch = 0 : i64, scratch_operands = 18 : i64, tpu.core_type = #tpu.core_type<sc_vector_subcore>, window_params = [{transform_indices = #map}, {transform_indices = #map}, {transform_indices = #map}, {transform_indices = #map1}]} {
    %mul3A = arith.constant 2 : i32
    %mul3A_0 = arith.muli %arg1, %mul3A : i32
    %add3A = arith.addi %mul3A_0, %arg0 : i32
    %mul3A_1 = arith.constant 256 : i32
    %mul3A_2 = arith.muli %add3A, %mul3A_1 : i32
    %mul3A_3 = arith.constant 256 : i32
    %mul3A_4 = arith.muli %add3A, %mul3A_3 : i32
    %mul3A_5 = arith.constant 100 : i32
    %mul3A_6 = arith.muli %mul3A_4, %mul3A_5 : i32
    %mul3A_7 = arith.constant 64 : i32
    %mul3A_8 = arith.muli %mul3A_6, %mul3A_7 : i32
    "tpu.region"() ({
      %run_scoped3A = tpu.sem_alloc : memref<!tpu.dma_semaphore, #tpu.memory_space<semaphore_mem>>
      %dma_start3A_56 = arith.constant 0 : i32
      %dma_start3A_57 = tpu.memref_slice %arg2[%mul3A_2, %dma_start3A_56] : memref<8192x100xi32, #tpu.memory_space<hbm>> -> memref<256x100xi32, #tpu.memory_space<hbm>>
      %dma_start3A_58 = arith.constant 0 : i32
      %dma_start3A_59 = tpu.memref_slice %arg2[%mul3A_2, %dma_start3A_58] : memref<8192x100xi32, #tpu.memory_space<hbm>> -> memref<256x100xi32, #tpu.memory_space<hbm>>
      tpu.enqueue_dma source(%dma_start3A_59 : memref<256x100xi32, #tpu.memory_space<hbm>>) target(%arg6 : memref<256x100xi32, #tpu.memory_space<vmem>>) target_semaphore(%run_scoped3A : memref<!tpu.dma_semaphore, #tpu.memory_space<semaphore_mem>>)
      %dma_wait3A_60 = arith.constant 0 : i32
      %dma_wait3A_61 = tpu.memref_slice %arg2[%mul3A_2, %dma_wait3A_60] : memref<8192x100xi32, #tpu.memory_space<hbm>> -> memref<256x100xi32, #tpu.memory_space<hbm>>
      %dma_wait3A_62 = arith.constant 0 : i32
      %dma_wait3A_63 = tpu.memref_slice %arg2[%mul3A_2, %dma_wait3A_62] : memref<8192x100xi32, #tpu.memory_space<hbm>> -> memref<256x100xi32, #tpu.memory_space<hbm>>
      tpu.wait_dma2 semaphore(%run_scoped3A : memref<!tpu.dma_semaphore, #tpu.memory_space<semaphore_mem>>) src(%dma_wait3A_63 : memref<256x100xi32, #tpu.memory_space<hbm>>) dst(%arg6 : memref<256x100xi32, #tpu.memory_space<vmem>>)
      tpu.yield
    }) : () -> ()
    "tpu.region"() ({
      %run_scoped3A = tpu.sem_alloc : memref<!tpu.dma_semaphore, #tpu.memory_space<semaphore_mem>>
      tpu.enqueue_dma source(%arg4 : memref<200x64xf32, #tpu.memory_space<hbm>>) target(%arg7 : memref<200x64xf32, #tpu.memory_space<vmem>>) target_semaphore(%run_scoped3A : memref<!tpu.dma_semaphore, #tpu.memory_space<semaphore_mem>>)
      tpu.wait_dma2 semaphore(%run_scoped3A : memref<!tpu.dma_semaphore, #tpu.memory_space<semaphore_mem>>) src(%arg4 : memref<200x64xf32, #tpu.memory_space<hbm>>) dst(%arg7 : memref<200x64xf32, #tpu.memory_space<vmem>>)
      tpu.yield
    }) : () -> ()
    %dma_start3A = arith.constant 0 : i32
    %dma_start3A_9 = arith.constant 0 : i32
    %dma_start3A_10 = tpu.memref_slice %arg6[%dma_start3A, %dma_start3A_9] : memref<256x100xi32, #tpu.memory_space<vmem>> -> memref<1x100xi32, #tpu.memory_space<vmem>>
    %dma_start3A_11 = tpu.memref_squeeze %dma_start3A_10 : memref<1x100xi32, #tpu.memory_space<vmem>> -> memref<100xi32, #tpu.memory_space<vmem>>
    %dma_start3A_12 = arith.constant 0 : i32
    %dma_start3A_13 = arith.constant 0 : i32
    %dma_start3A_14 = tpu.memref_slice %arg3[%dma_start3A_12, %dma_start3A_13] : memref<1000000x64xf32, #tpu.memory_space<hbm>> -> memref<1000000x64xf32, #tpu.memory_space<hbm>>
    tpu.enqueue_indirect_dma source(%dma_start3A_14 : memref<1000000x64xf32, #tpu.memory_space<hbm>>) target(%arg8 : memref<100x64xf32, #tpu.memory_space<vmem>>) offsets(%dma_start3A_11 : memref<100xi32, #tpu.memory_space<vmem>>) semaphore(%arg16 : memref<!tpu.dma_semaphore, #tpu.memory_space<semaphore_mem>>)
    %dma_start3A_15 = arith.constant 1 : i32
    %dma_start3A_16 = arith.constant 0 : i32
    %dma_start3A_17 = tpu.memref_slice %arg6[%dma_start3A_15, %dma_start3A_16] : memref<256x100xi32, #tpu.memory_space<vmem>> -> memref<1x100xi32, #tpu.memory_space<vmem>>
    %dma_start3A_18 = tpu.memref_squeeze %dma_start3A_17 : memref<1x100xi32, #tpu.memory_space<vmem>> -> memref<100xi32, #tpu.memory_space<vmem>>
    %dma_start3A_19 = arith.constant 0 : i32
    %dma_start3A_20 = arith.constant 0 : i32
    %dma_start3A_21 = tpu.memref_slice %arg3[%dma_start3A_19, %dma_start3A_20] : memref<1000000x64xf32, #tpu.memory_space<hbm>> -> memref<1000000x64xf32, #tpu.memory_space<hbm>>
    tpu.enqueue_indirect_dma source(%dma_start3A_21 : memref<1000000x64xf32, #tpu.memory_space<hbm>>) target(%arg9 : memref<100x64xf32, #tpu.memory_space<vmem>>) offsets(%dma_start3A_18 : memref<100xi32, #tpu.memory_space<vmem>>) semaphore(%arg17 : memref<!tpu.dma_semaphore, #tpu.memory_space<semaphore_mem>>)
    %dma_start3A_22 = arith.constant 2 : i32
    %dma_start3A_23 = arith.constant 0 : i32
    %dma_start3A_24 = tpu.memref_slice %arg6[%dma_start3A_22, %dma_start3A_23] : memref<256x100xi32, #tpu.memory_space<vmem>> -> memref<1x100xi32, #tpu.memory_space<vmem>>
    %dma_start3A_25 = tpu.memref_squeeze %dma_start3A_24 : memref<1x100xi32, #tpu.memory_space<vmem>> -> memref<100xi32, #tpu.memory_space<vmem>>
    %dma_start3A_26 = arith.constant 0 : i32
    %dma_start3A_27 = arith.constant 0 : i32
    %dma_start3A_28 = tpu.memref_slice %arg3[%dma_start3A_26, %dma_start3A_27] : memref<1000000x64xf32, #tpu.memory_space<hbm>> -> memref<1000000x64xf32, #tpu.memory_space<hbm>>
    tpu.enqueue_indirect_dma source(%dma_start3A_28 : memref<1000000x64xf32, #tpu.memory_space<hbm>>) target(%arg10 : memref<100x64xf32, #tpu.memory_space<vmem>>) offsets(%dma_start3A_25 : memref<100xi32, #tpu.memory_space<vmem>>) semaphore(%arg18 : memref<!tpu.dma_semaphore, #tpu.memory_space<semaphore_mem>>)
    %dma_start3A_29 = arith.constant 3 : i32
    %dma_start3A_30 = arith.constant 0 : i32
    %dma_start3A_31 = tpu.memref_slice %arg6[%dma_start3A_29, %dma_start3A_30] : memref<256x100xi32, #tpu.memory_space<vmem>> -> memref<1x100xi32, #tpu.memory_space<vmem>>
    %dma_start3A_32 = tpu.memref_squeeze %dma_start3A_31 : memref<1x100xi32, #tpu.memory_space<vmem>> -> memref<100xi32, #tpu.memory_space<vmem>>
    %dma_start3A_33 = arith.constant 0 : i32
    %dma_start3A_34 = arith.constant 0 : i32
    %dma_start3A_35 = tpu.memref_slice %arg3[%dma_start3A_33, %dma_start3A_34] : memref<1000000x64xf32, #tpu.memory_space<hbm>> -> memref<1000000x64xf32, #tpu.memory_space<hbm>>
    tpu.enqueue_indirect_dma source(%dma_start3A_35 : memref<1000000x64xf32, #tpu.memory_space<hbm>>) target(%arg11 : memref<100x64xf32, #tpu.memory_space<vmem>>) offsets(%dma_start3A_32 : memref<100xi32, #tpu.memory_space<vmem>>) semaphore(%arg19 : memref<!tpu.dma_semaphore, #tpu.memory_space<semaphore_mem>>)
    %scan3A = arith.constant 0 : i32
    %scan3A_36 = arith.constant 0 : i32
    %scan3A_37 = arith.constant 64 : i32
    %scan3A_38 = arith.addi %scan3A_36, %scan3A_37 : i32
    %scan3A_39 = arith.constant 1 : i32
    scf.for %scan3A_56 = %scan3A_36 to %scan3A_38 step %scan3A_39  : i32 {
      %mul3A_57 = arith.constant 4 : i32
      %mul3A_58 = arith.muli %scan3A_56, %mul3A_57 : i32
      %add3A_59 = arith.constant 0 : i32
      %add3A_60 = arith.addi %mul3A_58, %add3A_59 : i32
      %dma_wait3A_61 = arith.constant 0 : i32
      %dma_wait3A_62 = tpu.memref_slice %arg6[%add3A_60, %dma_wait3A_61] : memref<256x100xi32, #tpu.memory_space<vmem>> -> memref<1x100xi32, #tpu.memory_space<vmem>>
      %dma_wait3A_63 = tpu.memref_squeeze %dma_wait3A_62 : memref<1x100xi32, #tpu.memory_space<vmem>> -> memref<100xi32, #tpu.memory_space<vmem>>
      %dma_wait3A_64 = arith.constant 0 : i32
      %dma_wait3A_65 = arith.constant 0 : i32
      %dma_wait3A_66 = tpu.memref_slice %arg3[%dma_wait3A_64, %dma_wait3A_65] : memref<1000000x64xf32, #tpu.memory_space<hbm>> -> memref<1000000x64xf32, #tpu.memory_space<hbm>>
      tpu.wait_indirect_dma semaphore(%arg16 : memref<!tpu.dma_semaphore, #tpu.memory_space<semaphore_mem>>) src(%dma_wait3A_66 : memref<1000000x64xf32, #tpu.memory_space<hbm>>) dst(%arg8 : memref<100x64xf32, #tpu.memory_space<vmem>>)
      %gt3A = arith.constant 0 : i32
      %gt3A_67 = arith.cmpi sgt, %scan3A_56, %gt3A : i32
      %convert_element_type3A = arith.extui %gt3A_67 : i1 to i32
      %cond3A = arith.constant 0 : i32
      %cond3A_68 = arith.cmpi ne, %convert_element_type3A, %cond3A : i32
      scf.if %cond3A_68 {
        %sub3A = arith.constant 4 : i32
        %sub3A_259 = arith.subi %add3A_60, %sub3A : i32
        %mul3A_260 = arith.constant 100 : i32
        %mul3A_261 = arith.muli %sub3A_259, %mul3A_260 : i32
        %mul3A_262 = arith.constant 64 : i32
        %mul3A_263 = arith.muli %mul3A_261, %mul3A_262 : i32
        %add3A_264 = arith.addi %mul3A_8, %mul3A_263 : i32
        %dma_wait3A_265 = tpu.memref_slice %arg5[%add3A_264] : memref<52428800xf32, #tpu.memory_space<hbm>> -> memref<6400xf32, #tpu.memory_space<hbm>>
        %dma_wait3A_266 = tpu.memref_slice %arg5[%add3A_264] : memref<52428800xf32, #tpu.memory_space<hbm>> -> memref<6400xf32, #tpu.memory_space<hbm>>
        tpu.wait_dma2 semaphore(%arg20 : memref<!tpu.dma_semaphore, #tpu.memory_space<semaphore_mem>>) src(%arg12 : memref<6400xf32, #tpu.memory_space<vmem>>) dst(%dma_wait3A_266 : memref<6400xf32, #tpu.memory_space<hbm>>)
      } else {
      }
      %jit3A = arith.constant 2 : i32
      %eq3A = arith.constant 0 : i32
      %eq3A_69 = arith.cmpi eq, %jit3A, %eq3A : i32
      %jit3A_70 = arith.constant 1 : i32
      %select_n3A = arith.select %eq3A_69, %jit3A_70, %jit3A : i32
      %rem3A = arith.remsi %add3A_60, %select_n3A : i32
      %ne3A = arith.constant 0 : i32
      %ne3A_71 = arith.cmpi ne, %rem3A, %ne3A : i32
      %lt3A = arith.constant 0 : i32
      %lt3A_72 = arith.cmpi slt, %rem3A, %lt3A : i32
      %lt3A_73 = arith.constant 0 : i32
      %lt3A_74 = arith.cmpi slt, %select_n3A, %lt3A_73 : i32
      %ne3A_75 = arith.xori %lt3A_72, %lt3A_74 : i1
      %and3A = arith.andi %ne3A_75, %ne3A_71 : i1
      %add3A_76 = arith.addi %rem3A, %select_n3A : i32
      %select_n3A_77 = arith.select %and3A, %add3A_76, %rem3A : i32
      %mul3A_78 = arith.constant 100 : i32
      %mul3A_79 = arith.muli %select_n3A_77, %mul3A_78 : i32
      %scan3A_80 = arith.constant 0 : i32
      %scan3A_81 = arith.constant 0 : i32
      %scan3A_82 = arith.constant 100 : i32
      %scan3A_83 = arith.addi %scan3A_81, %scan3A_82 : i32
      %scan3A_84 = arith.constant 1 : i32
      scf.for %scan3A_259 = %scan3A_81 to %scan3A_83 step %scan3A_84  : i32 {
        %add3A_260 = arith.addi %mul3A_79, %scan3A_259 : i32
        %mul3A_261 = arith.constant 64 : i32
        %mul3A_262 = arith.muli %scan3A_259, %mul3A_261 : i32
        %add3A_263 = arith.constant 0 : i32
        %add3A_264 = arith.addi %mul3A_262, %add3A_263 : i32
        %get3A = arith.index_cast %scan3A_259 : i32 to index
        %get3A_265 = arith.constant 0 : index
        %get3A_266 = tpu.vector_load %arg8[%get3A, %get3A_265] {strides = array<i32>} : memref<100x64xf32, #tpu.memory_space<vmem>>, vector<1x16xf32>,
        %get3A_267 = vector.shape_cast %get3A_266 : vector<1x16xf32> to vector<16xf32>
        %get3A_268 = arith.index_cast %add3A_260 : i32 to index
        %get3A_269 = arith.constant 0 : index
        %get3A_270 = tpu.vector_load %arg7[%get3A_268, %get3A_269] {strides = array<i32>} : memref<200x64xf32, #tpu.memory_space<vmem>>, vector<1x16xf32>,
        %get3A_271 = vector.shape_cast %get3A_270 : vector<1x16xf32> to vector<16xf32>
        %add3A_272 = arith.addf %get3A_267, %get3A_271 : vector<16xf32>
        %swap3A = arith.index_cast %add3A_264 : i32 to index
        %swap3A_273 = tpu.vector_load %arg12[%swap3A] {strides = array<i32>} : memref<6400xf32, #tpu.memory_space<vmem>>, vector<16xf32>,
        %swap3A_274 = vector.shape_cast %swap3A_273 : vector<16xf32> to vector<16xf32>
        %swap3A_275 = vector.shape_cast %add3A_272 : vector<16xf32> to vector<16xf32>
        tpu.vector_store %arg12[%swap3A], %swap3A_275 {strides = array<i32>} : memref<6400xf32, #tpu.memory_space<vmem>>, vector<16xf32>,
        %mul3A_276 = arith.constant 64 : i32
        %mul3A_277 = arith.muli %scan3A_259, %mul3A_276 : i32
        %add3A_278 = arith.constant 16 : i32
        %add3A_279 = arith.addi %mul3A_277, %add3A_278 : i32
        %get3A_280 = arith.index_cast %scan3A_259 : i32 to index
        %get3A_281 = arith.constant 16 : index
        %get3A_282 = tpu.vector_load %arg8[%get3A_280, %get3A_281] {strides = array<i32>} : memref<100x64xf32, #tpu.memory_space<vmem>>, vector<1x16xf32>,
        %get3A_283 = vector.shape_cast %get3A_282 : vector<1x16xf32> to vector<16xf32>
        %get3A_284 = arith.index_cast %add3A_260 : i32 to index
        %get3A_285 = arith.constant 16 : index
        %get3A_286 = tpu.vector_load %arg7[%get3A_284, %get3A_285] {strides = array<i32>} : memref<200x64xf32, #tpu.memory_space<vmem>>, vector<1x16xf32>,
        %get3A_287 = vector.shape_cast %get3A_286 : vector<1x16xf32> to vector<16xf32>
        %add3A_288 = arith.addf %get3A_283, %get3A_287 : vector<16xf32>
        %swap3A_289 = arith.index_cast %add3A_279 : i32 to index
        %swap3A_290 = tpu.vector_load %arg12[%swap3A_289] {strides = array<i32>} : memref<6400xf32, #tpu.memory_space<vmem>>, vector<16xf32>,
        %swap3A_291 = vector.shape_cast %swap3A_290 : vector<16xf32> to vector<16xf32>
        %swap3A_292 = vector.shape_cast %add3A_288 : vector<16xf32> to vector<16xf32>
        tpu.vector_store %arg12[%swap3A_289], %swap3A_292 {strides = array<i32>} : memref<6400xf32, #tpu.memory_space<vmem>>, vector<16xf32>,
        %mul3A_293 = arith.constant 64 : i32
        %mul3A_294 = arith.muli %scan3A_259, %mul3A_293 : i32
        %add3A_295 = arith.constant 32 : i32
        %add3A_296 = arith.addi %mul3A_294, %add3A_295 : i32
        %get3A_297 = arith.index_cast %scan3A_259 : i32 to index
        %get3A_298 = arith.constant 32 : index
        %get3A_299 = tpu.vector_load %arg8[%get3A_297, %get3A_298] {strides = array<i32>} : memref<100x64xf32, #tpu.memory_space<vmem>>, vector<1x16xf32>,
        %get3A_300 = vector.shape_cast %get3A_299 : vector<1x16xf32> to vector<16xf32>
        %get3A_301 = arith.index_cast %add3A_260 : i32 to index
        %get3A_302 = arith.constant 32 : index
        %get3A_303 = tpu.vector_load %arg7[%get3A_301, %get3A_302] {strides = array<i32>} : memref<200x64xf32, #tpu.memory_space<vmem>>, vector<1x16xf32>,
        %get3A_304 = vector.shape_cast %get3A_303 : vector<1x16xf32> to vector<16xf32>
        %add3A_305 = arith.addf %get3A_300, %get3A_304 : vector<16xf32>
        %swap3A_306 = arith.index_cast %add3A_296 : i32 to index
        %swap3A_307 = tpu.vector_load %arg12[%swap3A_306] {strides = array<i32>} : memref<6400xf32, #tpu.memory_space<vmem>>, vector<16xf32>,
        %swap3A_308 = vector.shape_cast %swap3A_307 : vector<16xf32> to vector<16xf32>
        %swap3A_309 = vector.shape_cast %add3A_305 : vector<16xf32> to vector<16xf32>
        tpu.vector_store %arg12[%swap3A_306], %swap3A_309 {strides = array<i32>} : memref<6400xf32, #tpu.memory_space<vmem>>, vector<16xf32>,
        %mul3A_310 = arith.constant 64 : i32
        %mul3A_311 = arith.muli %scan3A_259, %mul3A_310 : i32
        %add3A_312 = arith.constant 48 : i32
        %add3A_313 = arith.addi %mul3A_311, %add3A_312 : i32
        %get3A_314 = arith.index_cast %scan3A_259 : i32 to index
        %get3A_315 = arith.constant 48 : index
        %get3A_316 = tpu.vector_load %arg8[%get3A_314, %get3A_315] {strides = array<i32>} : memref<100x64xf32, #tpu.memory_space<vmem>>, vector<1x16xf32>,
        %get3A_317 = vector.shape_cast %get3A_316 : vector<1x16xf32> to vector<16xf32>
        %get3A_318 = arith.index_cast %add3A_260 : i32 to index
        %get3A_319 = arith.constant 48 : index
        %get3A_320 = tpu.vector_load %arg7[%get3A_318, %get3A_319] {strides = array<i32>} : memref<200x64xf32, #tpu.memory_space<vmem>>, vector<1x16xf32>,
        %get3A_321 = vector.shape_cast %get3A_320 : vector<1x16xf32> to vector<16xf32>
        %add3A_322 = arith.addf %get3A_317, %get3A_321 : vector<16xf32>
        %swap3A_323 = arith.index_cast %add3A_313 : i32 to index
        %swap3A_324 = tpu.vector_load %arg12[%swap3A_323] {strides = array<i32>} : memref<6400xf32, #tpu.memory_space<vmem>>, vector<16xf32>,
        %swap3A_325 = vector.shape_cast %swap3A_324 : vector<16xf32> to vector<16xf32>
        %swap3A_326 = vector.shape_cast %add3A_322 : vector<16xf32> to vector<16xf32>
        tpu.vector_store %arg12[%swap3A_323], %swap3A_326 {strides = array<i32>} : memref<6400xf32, #tpu.memory_space<vmem>>, vector<16xf32>,
      }
      %scan3A_85 = arith.constant 100 : i32
      %mul3A_86 = arith.constant 100 : i32
      %mul3A_87 = arith.muli %add3A_60, %mul3A_86 : i32
      %mul3A_88 = arith.constant 64 : i32
      %mul3A_89 = arith.muli %mul3A_87, %mul3A_88 : i32
      %add3A_90 = arith.addi %mul3A_8, %mul3A_89 : i32
      %dma_start3A_91 = tpu.memref_slice %arg5[%add3A_90] : memref<52428800xf32, #tpu.memory_space<hbm>> -> memref<6400xf32, #tpu.memory_space<hbm>>
      %dma_start3A_92 = tpu.memref_slice %arg5[%add3A_90] : memref<52428800xf32, #tpu.memory_space<hbm>> -> memref<6400xf32, #tpu.memory_space<hbm>>
      tpu.enqueue_dma source(%arg12 : memref<6400xf32, #tpu.memory_space<vmem>>) target(%dma_start3A_92 : memref<6400xf32, #tpu.memory_space<hbm>>) target_semaphore(%arg20 : memref<!tpu.dma_semaphore, #tpu.memory_space<semaphore_mem>>)
      %add3A_93 = arith.constant 4 : i32
      %add3A_94 = arith.addi %add3A_60, %add3A_93 : i32
      %lt3A_95 = arith.constant 256 : i32
      %lt3A_96 = arith.cmpi slt, %add3A_94, %lt3A_95 : i32
      %convert_element_type3A_97 = arith.extui %lt3A_96 : i1 to i32
      %cond3A_98 = arith.constant 0 : i32
      %cond3A_99 = arith.cmpi ne, %convert_element_type3A_97, %cond3A_98 : i32
      scf.if %cond3A_99 {
        %add3A_259 = arith.constant 4 : i32
        %add3A_260 = arith.addi %add3A_60, %add3A_259 : i32
        %dma_start3A_261 = arith.constant 0 : i32
        %dma_start3A_262 = tpu.memref_slice %arg6[%add3A_260, %dma_start3A_261] : memref<256x100xi32, #tpu.memory_space<vmem>> -> memref<1x100xi32, #tpu.memory_space<vmem>>
        %dma_start3A_263 = tpu.memref_squeeze %dma_start3A_262 : memref<1x100xi32, #tpu.memory_space<vmem>> -> memref<100xi32, #tpu.memory_space<vmem>>
        %dma_start3A_264 = arith.constant 0 : i32
        %dma_start3A_265 = arith.constant 0 : i32
        %dma_start3A_266 = tpu.memref_slice %arg3[%dma_start3A_264, %dma_start3A_265] : memref<1000000x64xf32, #tpu.memory_space<hbm>> -> memref<1000000x64xf32, #tpu.memory_space<hbm>>
        tpu.enqueue_indirect_dma source(%dma_start3A_266 : memref<1000000x64xf32, #tpu.memory_space<hbm>>) target(%arg8 : memref<100x64xf32, #tpu.memory_space<vmem>>) offsets(%dma_start3A_263 : memref<100xi32, #tpu.memory_space<vmem>>) semaphore(%arg16 : memref<!tpu.dma_semaphore, #tpu.memory_space<semaphore_mem>>)
      } else {
      }
      %mul3A_100 = arith.constant 4 : i32
      %mul3A_101 = arith.muli %scan3A_56, %mul3A_100 : i32
      %add3A_102 = arith.constant 1 : i32
      %add3A_103 = arith.addi %mul3A_101, %add3A_102 : i32
      %dma_wait3A_104 = arith.constant 0 : i32
      %dma_wait3A_105 = tpu.memref_slice %arg6[%add3A_103, %dma_wait3A_104] : memref<256x100xi32, #tpu.memory_space<vmem>> -> memref<1x100xi32, #tpu.memory_space<vmem>>
      %dma_wait3A_106 = tpu.memref_squeeze %dma_wait3A_105 : memref<1x100xi32, #tpu.memory_space<vmem>> -> memref<100xi32, #tpu.memory_space<vmem>>
      %dma_wait3A_107 = arith.constant 0 : i32
      %dma_wait3A_108 = arith.constant 0 : i32
      %dma_wait3A_109 = tpu.memref_slice %arg3[%dma_wait3A_107, %dma_wait3A_108] : memref<1000000x64xf32, #tpu.memory_space<hbm>> -> memref<1000000x64xf32, #tpu.memory_space<hbm>>
      tpu.wait_indirect_dma semaphore(%arg17 : memref<!tpu.dma_semaphore, #tpu.memory_space<semaphore_mem>>) src(%dma_wait3A_109 : memref<1000000x64xf32, #tpu.memory_space<hbm>>) dst(%arg9 : memref<100x64xf32, #tpu.memory_space<vmem>>)
      %gt3A_110 = arith.constant 0 : i32
      %gt3A_111 = arith.cmpi sgt, %scan3A_56, %gt3A_110 : i32
      %convert_element_type3A_112 = arith.extui %gt3A_111 : i1 to i32
      %cond3A_113 = arith.constant 0 : i32
      %cond3A_114 = arith.cmpi ne, %convert_element_type3A_112, %cond3A_113 : i32
      scf.if %cond3A_114 {
        %sub3A = arith.constant 4 : i32
        %sub3A_259 = arith.subi %add3A_103, %sub3A : i32
        %mul3A_260 = arith.constant 100 : i32
        %mul3A_261 = arith.muli %sub3A_259, %mul3A_260 : i32
        %mul3A_262 = arith.constant 64 : i32
        %mul3A_263 = arith.muli %mul3A_261, %mul3A_262 : i32
        %add3A_264 = arith.addi %mul3A_8, %mul3A_263 : i32
        %dma_wait3A_265 = tpu.memref_slice %arg5[%add3A_264] : memref<52428800xf32, #tpu.memory_space<hbm>> -> memref<6400xf32, #tpu.memory_space<hbm>>
        %dma_wait3A_266 = tpu.memref_slice %arg5[%add3A_264] : memref<52428800xf32, #tpu.memory_space<hbm>> -> memref<6400xf32, #tpu.memory_space<hbm>>
        tpu.wait_dma2 semaphore(%arg21 : memref<!tpu.dma_semaphore, #tpu.memory_space<semaphore_mem>>) src(%arg13 : memref<6400xf32, #tpu.memory_space<vmem>>) dst(%dma_wait3A_266 : memref<6400xf32, #tpu.memory_space<hbm>>)
      } else {
      }
      %jit3A_115 = arith.constant 2 : i32
      %eq3A_116 = arith.constant 0 : i32
      %eq3A_117 = arith.cmpi eq, %jit3A_115, %eq3A_116 : i32
      %jit3A_118 = arith.constant 1 : i32
      %select_n3A_119 = arith.select %eq3A_117, %jit3A_118, %jit3A_115 : i32
      %rem3A_120 = arith.remsi %add3A_103, %select_n3A_119 : i32
      %ne3A_121 = arith.constant 0 : i32
      %ne3A_122 = arith.cmpi ne, %rem3A_120, %ne3A_121 : i32
      %lt3A_123 = arith.constant 0 : i32
      %lt3A_124 = arith.cmpi slt, %rem3A_120, %lt3A_123 : i32
      %lt3A_125 = arith.constant 0 : i32
      %lt3A_126 = arith.cmpi slt, %select_n3A_119, %lt3A_125 : i32
      %ne3A_127 = arith.xori %lt3A_124, %lt3A_126 : i1
      %and3A_128 = arith.andi %ne3A_127, %ne3A_122 : i1
      %add3A_129 = arith.addi %rem3A_120, %select_n3A_119 : i32
      %select_n3A_130 = arith.select %and3A_128, %add3A_129, %rem3A_120 : i32
      %mul3A_131 = arith.constant 100 : i32
      %mul3A_132 = arith.muli %select_n3A_130, %mul3A_131 : i32
      %scan3A_133 = arith.constant 0 : i32
      %scan3A_134 = arith.constant 0 : i32
      %scan3A_135 = arith.constant 100 : i32
      %scan3A_136 = arith.addi %scan3A_134, %scan3A_135 : i32
      %scan3A_137 = arith.constant 1 : i32
      scf.for %scan3A_259 = %scan3A_134 to %scan3A_136 step %scan3A_137  : i32 {
        %add3A_260 = arith.addi %mul3A_132, %scan3A_259 : i32
        %mul3A_261 = arith.constant 64 : i32
        %mul3A_262 = arith.muli %scan3A_259, %mul3A_261 : i32
        %add3A_263 = arith.constant 0 : i32
        %add3A_264 = arith.addi %mul3A_262, %add3A_263 : i32
        %get3A = arith.index_cast %scan3A_259 : i32 to index
        %get3A_265 = arith.constant 0 : index
        %get3A_266 = tpu.vector_load %arg9[%get3A, %get3A_265] {strides = array<i32>} : memref<100x64xf32, #tpu.memory_space<vmem>>, vector<1x16xf32>,
        %get3A_267 = vector.shape_cast %get3A_266 : vector<1x16xf32> to vector<16xf32>
        %get3A_268 = arith.index_cast %add3A_260 : i32 to index
        %get3A_269 = arith.constant 0 : index
        %get3A_270 = tpu.vector_load %arg7[%get3A_268, %get3A_269] {strides = array<i32>} : memref<200x64xf32, #tpu.memory_space<vmem>>, vector<1x16xf32>,
        %get3A_271 = vector.shape_cast %get3A_270 : vector<1x16xf32> to vector<16xf32>
        %add3A_272 = arith.addf %get3A_267, %get3A_271 : vector<16xf32>
        %swap3A = arith.index_cast %add3A_264 : i32 to index
        %swap3A_273 = tpu.vector_load %arg13[%swap3A] {strides = array<i32>} : memref<6400xf32, #tpu.memory_space<vmem>>, vector<16xf32>,
        %swap3A_274 = vector.shape_cast %swap3A_273 : vector<16xf32> to vector<16xf32>
        %swap3A_275 = vector.shape_cast %add3A_272 : vector<16xf32> to vector<16xf32>
        tpu.vector_store %arg13[%swap3A], %swap3A_275 {strides = array<i32>} : memref<6400xf32, #tpu.memory_space<vmem>>, vector<16xf32>,
        %mul3A_276 = arith.constant 64 : i32
        %mul3A_277 = arith.muli %scan3A_259, %mul3A_276 : i32
        %add3A_278 = arith.constant 16 : i32
        %add3A_279 = arith.addi %mul3A_277, %add3A_278 : i32
        %get3A_280 = arith.index_cast %scan3A_259 : i32 to index
        %get3A_281 = arith.constant 16 : index
        %get3A_282 = tpu.vector_load %arg9[%get3A_280, %get3A_281] {strides = array<i32>} : memref<100x64xf32, #tpu.memory_space<vmem>>, vector<1x16xf32>,
        %get3A_283 = vector.shape_cast %get3A_282 : vector<1x16xf32> to vector<16xf32>
        %get3A_284 = arith.index_cast %add3A_260 : i32 to index
        %get3A_285 = arith.constant 16 : index
        %get3A_286 = tpu.vector_load %arg7[%get3A_284, %get3A_285] {strides = array<i32>} : memref<200x64xf32, #tpu.memory_space<vmem>>, vector<1x16xf32>,
        %get3A_287 = vector.shape_cast %get3A_286 : vector<1x16xf32> to vector<16xf32>
        %add3A_288 = arith.addf %get3A_283, %get3A_287 : vector<16xf32>
        %swap3A_289 = arith.index_cast %add3A_279 : i32 to index
        %swap3A_290 = tpu.vector_load %arg13[%swap3A_289] {strides = array<i32>} : memref<6400xf32, #tpu.memory_space<vmem>>, vector<16xf32>,
        %swap3A_291 = vector.shape_cast %swap3A_290 : vector<16xf32> to vector<16xf32>
        %swap3A_292 = vector.shape_cast %add3A_288 : vector<16xf32> to vector<16xf32>
        tpu.vector_store %arg13[%swap3A_289], %swap3A_292 {strides = array<i32>} : memref<6400xf32, #tpu.memory_space<vmem>>, vector<16xf32>,
        %mul3A_293 = arith.constant 64 : i32
        %mul3A_294 = arith.muli %scan3A_259, %mul3A_293 : i32
        %add3A_295 = arith.constant 32 : i32
        %add3A_296 = arith.addi %mul3A_294, %add3A_295 : i32
        %get3A_297 = arith.index_cast %scan3A_259 : i32 to index
        %get3A_298 = arith.constant 32 : index
        %get3A_299 = tpu.vector_load %arg9[%get3A_297, %get3A_298] {strides = array<i32>} : memref<100x64xf32, #tpu.memory_space<vmem>>, vector<1x16xf32>,
        %get3A_300 = vector.shape_cast %get3A_299 : vector<1x16xf32> to vector<16xf32>
        %get3A_301 = arith.index_cast %add3A_260 : i32 to index
        %get3A_302 = arith.constant 32 : index
        %get3A_303 = tpu.vector_load %arg7[%get3A_301, %get3A_302] {strides = array<i32>} : memref<200x64xf32, #tpu.memory_space<vmem>>, vector<1x16xf32>,
        %get3A_304 = vector.shape_cast %get3A_303 : vector<1x16xf32> to vector<16xf32>
        %add3A_305 = arith.addf %get3A_300, %get3A_304 : vector<16xf32>
        %swap3A_306 = arith.index_cast %add3A_296 : i32 to index
        %swap3A_307 = tpu.vector_load %arg13[%swap3A_306] {strides = array<i32>} : memref<6400xf32, #tpu.memory_space<vmem>>, vector<16xf32>,
        %swap3A_308 = vector.shape_cast %swap3A_307 : vector<16xf32> to vector<16xf32>
        %swap3A_309 = vector.shape_cast %add3A_305 : vector<16xf32> to vector<16xf32>
        tpu.vector_store %arg13[%swap3A_306], %swap3A_309 {strides = array<i32>} : memref<6400xf32, #tpu.memory_space<vmem>>, vector<16xf32>,
        %mul3A_310 = arith.constant 64 : i32
        %mul3A_311 = arith.muli %scan3A_259, %mul3A_310 : i32
        %add3A_312 = arith.constant 48 : i32
        %add3A_313 = arith.addi %mul3A_311, %add3A_312 : i32
        %get3A_314 = arith.index_cast %scan3A_259 : i32 to index
        %get3A_315 = arith.constant 48 : index
        %get3A_316 = tpu.vector_load %arg9[%get3A_314, %get3A_315] {strides = array<i32>} : memref<100x64xf32, #tpu.memory_space<vmem>>, vector<1x16xf32>,
        %get3A_317 = vector.shape_cast %get3A_316 : vector<1x16xf32> to vector<16xf32>
        %get3A_318 = arith.index_cast %add3A_260 : i32 to index
        %get3A_319 = arith.constant 48 : index
        %get3A_320 = tpu.vector_load %arg7[%get3A_318, %get3A_319] {strides = array<i32>} : memref<200x64xf32, #tpu.memory_space<vmem>>, vector<1x16xf32>,
        %get3A_321 = vector.shape_cast %get3A_320 : vector<1x16xf32> to vector<16xf32>
        %add3A_322 = arith.addf %get3A_317, %get3A_321 : vector<16xf32>
        %swap3A_323 = arith.index_cast %add3A_313 : i32 to index
        %swap3A_324 = tpu.vector_load %arg13[%swap3A_323] {strides = array<i32>} : memref<6400xf32, #tpu.memory_space<vmem>>, vector<16xf32>,
        %swap3A_325 = vector.shape_cast %swap3A_324 : vector<16xf32> to vector<16xf32>
        %swap3A_326 = vector.shape_cast %add3A_322 : vector<16xf32> to vector<16xf32>
        tpu.vector_store %arg13[%swap3A_323], %swap3A_326 {strides = array<i32>} : memref<6400xf32, #tpu.memory_space<vmem>>, vector<16xf32>,
      }
      %scan3A_138 = arith.constant 100 : i32
      %mul3A_139 = arith.constant 100 : i32
      %mul3A_140 = arith.muli %add3A_103, %mul3A_139 : i32
      %mul3A_141 = arith.constant 64 : i32
      %mul3A_142 = arith.muli %mul3A_140, %mul3A_141 : i32
      %add3A_143 = arith.addi %mul3A_8, %mul3A_142 : i32
      %dma_start3A_144 = tpu.memref_slice %arg5[%add3A_143] : memref<52428800xf32, #tpu.memory_space<hbm>> -> memref<6400xf32, #tpu.memory_space<hbm>>
      %dma_start3A_145 = tpu.memref_slice %arg5[%add3A_143] : memref<52428800xf32, #tpu.memory_space<hbm>> -> memref<6400xf32, #tpu.memory_space<hbm>>
      tpu.enqueue_dma source(%arg13 : memref<6400xf32, #tpu.memory_space<vmem>>) target(%dma_start3A_145 : memref<6400xf32, #tpu.memory_space<hbm>>) target_semaphore(%arg21 : memref<!tpu.dma_semaphore, #tpu.memory_space<semaphore_mem>>)
      %add3A_146 = arith.constant 4 : i32
      %add3A_147 = arith.addi %add3A_103, %add3A_146 : i32
      %lt3A_148 = arith.constant 256 : i32
      %lt3A_149 = arith.cmpi slt, %add3A_147, %lt3A_148 : i32
      %convert_element_type3A_150 = arith.extui %lt3A_149 : i1 to i32
      %cond3A_151 = arith.constant 0 : i32
      %cond3A_152 = arith.cmpi ne, %convert_element_type3A_150, %cond3A_151 : i32
      scf.if %cond3A_152 {
        %add3A_259 = arith.constant 4 : i32
        %add3A_260 = arith.addi %add3A_103, %add3A_259 : i32
        %dma_start3A_261 = arith.constant 0 : i32
        %dma_start3A_262 = tpu.memref_slice %arg6[%add3A_260, %dma_start3A_261] : memref<256x100xi32, #tpu.memory_space<vmem>> -> memref<1x100xi32, #tpu.memory_space<vmem>>
        %dma_start3A_263 = tpu.memref_squeeze %dma_start3A_262 : memref<1x100xi32, #tpu.memory_space<vmem>> -> memref<100xi32, #tpu.memory_space<vmem>>
        %dma_start3A_264 = arith.constant 0 : i32
        %dma_start3A_265 = arith.constant 0 : i32
        %dma_start3A_266 = tpu.memref_slice %arg3[%dma_start3A_264, %dma_start3A_265] : memref<1000000x64xf32, #tpu.memory_space<hbm>> -> memref<1000000x64xf32, #tpu.memory_space<hbm>>
        tpu.enqueue_indirect_dma source(%dma_start3A_266 : memref<1000000x64xf32, #tpu.memory_space<hbm>>) target(%arg9 : memref<100x64xf32, #tpu.memory_space<vmem>>) offsets(%dma_start3A_263 : memref<100xi32, #tpu.memory_space<vmem>>) semaphore(%arg17 : memref<!tpu.dma_semaphore, #tpu.memory_space<semaphore_mem>>)
      } else {
      }
      %mul3A_153 = arith.constant 4 : i32
      %mul3A_154 = arith.muli %scan3A_56, %mul3A_153 : i32
      %add3A_155 = arith.constant 2 : i32
      %add3A_156 = arith.addi %mul3A_154, %add3A_155 : i32
      %dma_wait3A_157 = arith.constant 0 : i32
      %dma_wait3A_158 = tpu.memref_slice %arg6[%add3A_156, %dma_wait3A_157] : memref<256x100xi32, #tpu.memory_space<vmem>> -> memref<1x100xi32, #tpu.memory_space<vmem>>
      %dma_wait3A_159 = tpu.memref_squeeze %dma_wait3A_158 : memref<1x100xi32, #tpu.memory_space<vmem>> -> memref<100xi32, #tpu.memory_space<vmem>>
      %dma_wait3A_160 = arith.constant 0 : i32
      %dma_wait3A_161 = arith.constant 0 : i32
      %dma_wait3A_162 = tpu.memref_slice %arg3[%dma_wait3A_160, %dma_wait3A_161] : memref<1000000x64xf32, #tpu.memory_space<hbm>> -> memref<1000000x64xf32, #tpu.memory_space<hbm>>
      tpu.wait_indirect_dma semaphore(%arg18 : memref<!tpu.dma_semaphore, #tpu.memory_space<semaphore_mem>>) src(%dma_wait3A_162 : memref<1000000x64xf32, #tpu.memory_space<hbm>>) dst(%arg10 : memref<100x64xf32, #tpu.memory_space<vmem>>)
      %gt3A_163 = arith.constant 0 : i32
      %gt3A_164 = arith.cmpi sgt, %scan3A_56, %gt3A_163 : i32
      %convert_element_type3A_165 = arith.extui %gt3A_164 : i1 to i32
      %cond3A_166 = arith.constant 0 : i32
      %cond3A_167 = arith.cmpi ne, %convert_element_type3A_165, %cond3A_166 : i32
      scf.if %cond3A_167 {
        %sub3A = arith.constant 4 : i32
        %sub3A_259 = arith.subi %add3A_156, %sub3A : i32
        %mul3A_260 = arith.constant 100 : i32
        %mul3A_261 = arith.muli %sub3A_259, %mul3A_260 : i32
        %mul3A_262 = arith.constant 64 : i32
        %mul3A_263 = arith.muli %mul3A_261, %mul3A_262 : i32
        %add3A_264 = arith.addi %mul3A_8, %mul3A_263 : i32
        %dma_wait3A_265 = tpu.memref_slice %arg5[%add3A_264] : memref<52428800xf32, #tpu.memory_space<hbm>> -> memref<6400xf32, #tpu.memory_space<hbm>>
        %dma_wait3A_266 = tpu.memref_slice %arg5[%add3A_264] : memref<52428800xf32, #tpu.memory_space<hbm>> -> memref<6400xf32, #tpu.memory_space<hbm>>
        tpu.wait_dma2 semaphore(%arg22 : memref<!tpu.dma_semaphore, #tpu.memory_space<semaphore_mem>>) src(%arg14 : memref<6400xf32, #tpu.memory_space<vmem>>) dst(%dma_wait3A_266 : memref<6400xf32, #tpu.memory_space<hbm>>)
      } else {
      }
      %jit3A_168 = arith.constant 2 : i32
      %eq3A_169 = arith.constant 0 : i32
      %eq3A_170 = arith.cmpi eq, %jit3A_168, %eq3A_169 : i32
      %jit3A_171 = arith.constant 1 : i32
      %select_n3A_172 = arith.select %eq3A_170, %jit3A_171, %jit3A_168 : i32
      %rem3A_173 = arith.remsi %add3A_156, %select_n3A_172 : i32
      %ne3A_174 = arith.constant 0 : i32
      %ne3A_175 = arith.cmpi ne, %rem3A_173, %ne3A_174 : i32
      %lt3A_176 = arith.constant 0 : i32
      %lt3A_177 = arith.cmpi slt, %rem3A_173, %lt3A_176 : i32
      %lt3A_178 = arith.constant 0 : i32
      %lt3A_179 = arith.cmpi slt, %select_n3A_172, %lt3A_178 : i32
      %ne3A_180 = arith.xori %lt3A_177, %lt3A_179 : i1
      %and3A_181 = arith.andi %ne3A_180, %ne3A_175 : i1
      %add3A_182 = arith.addi %rem3A_173, %select_n3A_172 : i32
      %select_n3A_183 = arith.select %and3A_181, %add3A_182, %rem3A_173 : i32
      %mul3A_184 = arith.constant 100 : i32
      %mul3A_185 = arith.muli %select_n3A_183, %mul3A_184 : i32
      %scan3A_186 = arith.constant 0 : i32
      %scan3A_187 = arith.constant 0 : i32
      %scan3A_188 = arith.constant 100 : i32
      %scan3A_189 = arith.addi %scan3A_187, %scan3A_188 : i32
      %scan3A_190 = arith.constant 1 : i32
      scf.for %scan3A_259 = %scan3A_187 to %scan3A_189 step %scan3A_190  : i32 {
        %add3A_260 = arith.addi %mul3A_185, %scan3A_259 : i32
        %mul3A_261 = arith.constant 64 : i32
        %mul3A_262 = arith.muli %scan3A_259, %mul3A_261 : i32
        %add3A_263 = arith.constant 0 : i32
        %add3A_264 = arith.addi %mul3A_262, %add3A_263 : i32
        %get3A = arith.index_cast %scan3A_259 : i32 to index
        %get3A_265 = arith.constant 0 : index
        %get3A_266 = tpu.vector_load %arg10[%get3A, %get3A_265] {strides = array<i32>} : memref<100x64xf32, #tpu.memory_space<vmem>>, vector<1x16xf32>,
        %get3A_267 = vector.shape_cast %get3A_266 : vector<1x16xf32> to vector<16xf32>
        %get3A_268 = arith.index_cast %add3A_260 : i32 to index
        %get3A_269 = arith.constant 0 : index
        %get3A_270 = tpu.vector_load %arg7[%get3A_268, %get3A_269] {strides = array<i32>} : memref<200x64xf32, #tpu.memory_space<vmem>>, vector<1x16xf32>,
        %get3A_271 = vector.shape_cast %get3A_270 : vector<1x16xf32> to vector<16xf32>
        %add3A_272 = arith.addf %get3A_267, %get3A_271 : vector<16xf32>
        %swap3A = arith.index_cast %add3A_264 : i32 to index
        %swap3A_273 = tpu.vector_load %arg14[%swap3A] {strides = array<i32>} : memref<6400xf32, #tpu.memory_space<vmem>>, vector<16xf32>,
        %swap3A_274 = vector.shape_cast %swap3A_273 : vector<16xf32> to vector<16xf32>
        %swap3A_275 = vector.shape_cast %add3A_272 : vector<16xf32> to vector<16xf32>
        tpu.vector_store %arg14[%swap3A], %swap3A_275 {strides = array<i32>} : memref<6400xf32, #tpu.memory_space<vmem>>, vector<16xf32>,
        %mul3A_276 = arith.constant 64 : i32
        %mul3A_277 = arith.muli %scan3A_259, %mul3A_276 : i32
        %add3A_278 = arith.constant 16 : i32
        %add3A_279 = arith.addi %mul3A_277, %add3A_278 : i32
        %get3A_280 = arith.index_cast %scan3A_259 : i32 to index
        %get3A_281 = arith.constant 16 : index
        %get3A_282 = tpu.vector_load %arg10[%get3A_280, %get3A_281] {strides = array<i32>} : memref<100x64xf32, #tpu.memory_space<vmem>>, vector<1x16xf32>,
        %get3A_283 = vector.shape_cast %get3A_282 : vector<1x16xf32> to vector<16xf32>
        %get3A_284 = arith.index_cast %add3A_260 : i32 to index
        %get3A_285 = arith.constant 16 : index
        %get3A_286 = tpu.vector_load %arg7[%get3A_284, %get3A_285] {strides = array<i32>} : memref<200x64xf32, #tpu.memory_space<vmem>>, vector<1x16xf32>,
        %get3A_287 = vector.shape_cast %get3A_286 : vector<1x16xf32> to vector<16xf32>
        %add3A_288 = arith.addf %get3A_283, %get3A_287 : vector<16xf32>
        %swap3A_289 = arith.index_cast %add3A_279 : i32 to index
        %swap3A_290 = tpu.vector_load %arg14[%swap3A_289] {strides = array<i32>} : memref<6400xf32, #tpu.memory_space<vmem>>, vector<16xf32>,
        %swap3A_291 = vector.shape_cast %swap3A_290 : vector<16xf32> to vector<16xf32>
        %swap3A_292 = vector.shape_cast %add3A_288 : vector<16xf32> to vector<16xf32>
        tpu.vector_store %arg14[%swap3A_289], %swap3A_292 {strides = array<i32>} : memref<6400xf32, #tpu.memory_space<vmem>>, vector<16xf32>,
        %mul3A_293 = arith.constant 64 : i32
        %mul3A_294 = arith.muli %scan3A_259, %mul3A_293 : i32
        %add3A_295 = arith.constant 32 : i32
        %add3A_296 = arith.addi %mul3A_294, %add3A_295 : i32
        %get3A_297 = arith.index_cast %scan3A_259 : i32 to index
        %get3A_298 = arith.constant 32 : index
        %get3A_299 = tpu.vector_load %arg10[%get3A_297, %get3A_298] {strides = array<i32>} : memref<100x64xf32, #tpu.memory_space<vmem>>, vector<1x16xf32>,
        %get3A_300 = vector.shape_cast %get3A_299 : vector<1x16xf32> to vector<16xf32>
        %get3A_301 = arith.index_cast %add3A_260 : i32 to index
        %get3A_302 = arith.constant 32 : index
        %get3A_303 = tpu.vector_load %arg7[%get3A_301, %get3A_302] {strides = array<i32>} : memref<200x64xf32, #tpu.memory_space<vmem>>, vector<1x16xf32>,
        %get3A_304 = vector.shape_cast %get3A_303 : vector<1x16xf32> to vector<16xf32>
        %add3A_305 = arith.addf %get3A_300, %get3A_304 : vector<16xf32>
        %swap3A_306 = arith.index_cast %add3A_296 : i32 to index
        %swap3A_307 = tpu.vector_load %arg14[%swap3A_306] {strides = array<i32>} : memref<6400xf32, #tpu.memory_space<vmem>>, vector<16xf32>,
        %swap3A_308 = vector.shape_cast %swap3A_307 : vector<16xf32> to vector<16xf32>
        %swap3A_309 = vector.shape_cast %add3A_305 : vector<16xf32> to vector<16xf32>
        tpu.vector_store %arg14[%swap3A_306], %swap3A_309 {strides = array<i32>} : memref<6400xf32, #tpu.memory_space<vmem>>, vector<16xf32>,
        %mul3A_310 = arith.constant 64 : i32
        %mul3A_311 = arith.muli %scan3A_259, %mul3A_310 : i32
        %add3A_312 = arith.constant 48 : i32
        %add3A_313 = arith.addi %mul3A_311, %add3A_312 : i32
        %get3A_314 = arith.index_cast %scan3A_259 : i32 to index
        %get3A_315 = arith.constant 48 : index
        %get3A_316 = tpu.vector_load %arg10[%get3A_314, %get3A_315] {strides = array<i32>} : memref<100x64xf32, #tpu.memory_space<vmem>>, vector<1x16xf32>,
        %get3A_317 = vector.shape_cast %get3A_316 : vector<1x16xf32> to vector<16xf32>
        %get3A_318 = arith.index_cast %add3A_260 : i32 to index
        %get3A_319 = arith.constant 48 : index
        %get3A_320 = tpu.vector_load %arg7[%get3A_318, %get3A_319] {strides = array<i32>} : memref<200x64xf32, #tpu.memory_space<vmem>>, vector<1x16xf32>,
        %get3A_321 = vector.shape_cast %get3A_320 : vector<1x16xf32> to vector<16xf32>
        %add3A_322 = arith.addf %get3A_317, %get3A_321 : vector<16xf32>
        %swap3A_323 = arith.index_cast %add3A_313 : i32 to index
        %swap3A_324 = tpu.vector_load %arg14[%swap3A_323] {strides = array<i32>} : memref<6400xf32, #tpu.memory_space<vmem>>, vector<16xf32>,
        %swap3A_325 = vector.shape_cast %swap3A_324 : vector<16xf32> to vector<16xf32>
        %swap3A_326 = vector.shape_cast %add3A_322 : vector<16xf32> to vector<16xf32>
        tpu.vector_store %arg14[%swap3A_323], %swap3A_326 {strides = array<i32>} : memref<6400xf32, #tpu.memory_space<vmem>>, vector<16xf32>,
      }
      %scan3A_191 = arith.constant 100 : i32
      %mul3A_192 = arith.constant 100 : i32
      %mul3A_193 = arith.muli %add3A_156, %mul3A_192 : i32
      %mul3A_194 = arith.constant 64 : i32
      %mul3A_195 = arith.muli %mul3A_193, %mul3A_194 : i32
      %add3A_196 = arith.addi %mul3A_8, %mul3A_195 : i32
      %dma_start3A_197 = tpu.memref_slice %arg5[%add3A_196] : memref<52428800xf32, #tpu.memory_space<hbm>> -> memref<6400xf32, #tpu.memory_space<hbm>>
      %dma_start3A_198 = tpu.memref_slice %arg5[%add3A_196] : memref<52428800xf32, #tpu.memory_space<hbm>> -> memref<6400xf32, #tpu.memory_space<hbm>>
      tpu.enqueue_dma source(%arg14 : memref<6400xf32, #tpu.memory_space<vmem>>) target(%dma_start3A_198 : memref<6400xf32, #tpu.memory_space<hbm>>) target_semaphore(%arg22 : memref<!tpu.dma_semaphore, #tpu.memory_space<semaphore_mem>>)
      %add3A_199 = arith.constant 4 : i32
      %add3A_200 = arith.addi %add3A_156, %add3A_199 : i32
      %lt3A_201 = arith.constant 256 : i32
      %lt3A_202 = arith.cmpi slt, %add3A_200, %lt3A_201 : i32
      %convert_element_type3A_203 = arith.extui %lt3A_202 : i1 to i32
      %cond3A_204 = arith.constant 0 : i32
      %cond3A_205 = arith.cmpi ne, %convert_element_type3A_203, %cond3A_204 : i32
      scf.if %cond3A_205 {
        %add3A_259 = arith.constant 4 : i32
        %add3A_260 = arith.addi %add3A_156, %add3A_259 : i32
        %dma_start3A_261 = arith.constant 0 : i32
        %dma_start3A_262 = tpu.memref_slice %arg6[%add3A_260, %dma_start3A_261] : memref<256x100xi32, #tpu.memory_space<vmem>> -> memref<1x100xi32, #tpu.memory_space<vmem>>
        %dma_start3A_263 = tpu.memref_squeeze %dma_start3A_262 : memref<1x100xi32, #tpu.memory_space<vmem>> -> memref<100xi32, #tpu.memory_space<vmem>>
        %dma_start3A_264 = arith.constant 0 : i32
        %dma_start3A_265 = arith.constant 0 : i32
        %dma_start3A_266 = tpu.memref_slice %arg3[%dma_start3A_264, %dma_start3A_265] : memref<1000000x64xf32, #tpu.memory_space<hbm>> -> memref<1000000x64xf32, #tpu.memory_space<hbm>>
        tpu.enqueue_indirect_dma source(%dma_start3A_266 : memref<1000000x64xf32, #tpu.memory_space<hbm>>) target(%arg10 : memref<100x64xf32, #tpu.memory_space<vmem>>) offsets(%dma_start3A_263 : memref<100xi32, #tpu.memory_space<vmem>>) semaphore(%arg18 : memref<!tpu.dma_semaphore, #tpu.memory_space<semaphore_mem>>)
      } else {
      }
      %mul3A_206 = arith.constant 4 : i32
      %mul3A_207 = arith.muli %scan3A_56, %mul3A_206 : i32
      %add3A_208 = arith.constant 3 : i32
      %add3A_209 = arith.addi %mul3A_207, %add3A_208 : i32
      %dma_wait3A_210 = arith.constant 0 : i32
      %dma_wait3A_211 = tpu.memref_slice %arg6[%add3A_209, %dma_wait3A_210] : memref<256x100xi32, #tpu.memory_space<vmem>> -> memref<1x100xi32, #tpu.memory_space<vmem>>
      %dma_wait3A_212 = tpu.memref_squeeze %dma_wait3A_211 : memref<1x100xi32, #tpu.memory_space<vmem>> -> memref<100xi32, #tpu.memory_space<vmem>>
      %dma_wait3A_213 = arith.constant 0 : i32
      %dma_wait3A_214 = arith.constant 0 : i32
      %dma_wait3A_215 = tpu.memref_slice %arg3[%dma_wait3A_213, %dma_wait3A_214] : memref<1000000x64xf32, #tpu.memory_space<hbm>> -> memref<1000000x64xf32, #tpu.memory_space<hbm>>
      tpu.wait_indirect_dma semaphore(%arg19 : memref<!tpu.dma_semaphore, #tpu.memory_space<semaphore_mem>>) src(%dma_wait3A_215 : memref<1000000x64xf32, #tpu.memory_space<hbm>>) dst(%arg11 : memref<100x64xf32, #tpu.memory_space<vmem>>)
      %gt3A_216 = arith.constant 0 : i32
      %gt3A_217 = arith.cmpi sgt, %scan3A_56, %gt3A_216 : i32
      %convert_element_type3A_218 = arith.extui %gt3A_217 : i1 to i32
      %cond3A_219 = arith.constant 0 : i32
      %cond3A_220 = arith.cmpi ne, %convert_element_type3A_218, %cond3A_219 : i32
      scf.if %cond3A_220 {
        %sub3A = arith.constant 4 : i32
        %sub3A_259 = arith.subi %add3A_209, %sub3A : i32
        %mul3A_260 = arith.constant 100 : i32
        %mul3A_261 = arith.muli %sub3A_259, %mul3A_260 : i32
        %mul3A_262 = arith.constant 64 : i32
        %mul3A_263 = arith.muli %mul3A_261, %mul3A_262 : i32
        %add3A_264 = arith.addi %mul3A_8, %mul3A_263 : i32
        %dma_wait3A_265 = tpu.memref_slice %arg5[%add3A_264] : memref<52428800xf32, #tpu.memory_space<hbm>> -> memref<6400xf32, #tpu.memory_space<hbm>>
        %dma_wait3A_266 = tpu.memref_slice %arg5[%add3A_264] : memref<52428800xf32, #tpu.memory_space<hbm>> -> memref<6400xf32, #tpu.memory_space<hbm>>
        tpu.wait_dma2 semaphore(%arg23 : memref<!tpu.dma_semaphore, #tpu.memory_space<semaphore_mem>>) src(%arg15 : memref<6400xf32, #tpu.memory_space<vmem>>) dst(%dma_wait3A_266 : memref<6400xf32, #tpu.memory_space<hbm>>)
      } else {
      }
      %jit3A_221 = arith.constant 2 : i32
      %eq3A_222 = arith.constant 0 : i32
      %eq3A_223 = arith.cmpi eq, %jit3A_221, %eq3A_222 : i32
      %jit3A_224 = arith.constant 1 : i32
      %select_n3A_225 = arith.select %eq3A_223, %jit3A_224, %jit3A_221 : i32
      %rem3A_226 = arith.remsi %add3A_209, %select_n3A_225 : i32
      %ne3A_227 = arith.constant 0 : i32
      %ne3A_228 = arith.cmpi ne, %rem3A_226, %ne3A_227 : i32
      %lt3A_229 = arith.constant 0 : i32
      %lt3A_230 = arith.cmpi slt, %rem3A_226, %lt3A_229 : i32
      %lt3A_231 = arith.constant 0 : i32
      %lt3A_232 = arith.cmpi slt, %select_n3A_225, %lt3A_231 : i32
      %ne3A_233 = arith.xori %lt3A_230, %lt3A_232 : i1
      %and3A_234 = arith.andi %ne3A_233, %ne3A_228 : i1
      %add3A_235 = arith.addi %rem3A_226, %select_n3A_225 : i32
      %select_n3A_236 = arith.select %and3A_234, %add3A_235, %rem3A_226 : i32
      %mul3A_237 = arith.constant 100 : i32
      %mul3A_238 = arith.muli %select_n3A_236, %mul3A_237 : i32
      %scan3A_239 = arith.constant 0 : i32
      %scan3A_240 = arith.constant 0 : i32
      %scan3A_241 = arith.constant 100 : i32
      %scan3A_242 = arith.addi %scan3A_240, %scan3A_241 : i32
      %scan3A_243 = arith.constant 1 : i32
      scf.for %scan3A_259 = %scan3A_240 to %scan3A_242 step %scan3A_243  : i32 {
        %add3A_260 = arith.addi %mul3A_238, %scan3A_259 : i32
        %mul3A_261 = arith.constant 64 : i32
        %mul3A_262 = arith.muli %scan3A_259, %mul3A_261 : i32
        %add3A_263 = arith.constant 0 : i32
        %add3A_264 = arith.addi %mul3A_262, %add3A_263 : i32
        %get3A = arith.index_cast %scan3A_259 : i32 to index
        %get3A_265 = arith.constant 0 : index
        %get3A_266 = tpu.vector_load %arg11[%get3A, %get3A_265] {strides = array<i32>} : memref<100x64xf32, #tpu.memory_space<vmem>>, vector<1x16xf32>,
        %get3A_267 = vector.shape_cast %get3A_266 : vector<1x16xf32> to vector<16xf32>
        %get3A_268 = arith.index_cast %add3A_260 : i32 to index
        %get3A_269 = arith.constant 0 : index
        %get3A_270 = tpu.vector_load %arg7[%get3A_268, %get3A_269] {strides = array<i32>} : memref<200x64xf32, #tpu.memory_space<vmem>>, vector<1x16xf32>,
        %get3A_271 = vector.shape_cast %get3A_270 : vector<1x16xf32> to vector<16xf32>
        %add3A_272 = arith.addf %get3A_267, %get3A_271 : vector<16xf32>
        %swap3A = arith.index_cast %add3A_264 : i32 to index
        %swap3A_273 = tpu.vector_load %arg15[%swap3A] {strides = array<i32>} : memref<6400xf32, #tpu.memory_space<vmem>>, vector<16xf32>,
        %swap3A_274 = vector.shape_cast %swap3A_273 : vector<16xf32> to vector<16xf32>
        %swap3A_275 = vector.shape_cast %add3A_272 : vector<16xf32> to vector<16xf32>
        tpu.vector_store %arg15[%swap3A], %swap3A_275 {strides = array<i32>} : memref<6400xf32, #tpu.memory_space<vmem>>, vector<16xf32>,
        %mul3A_276 = arith.constant 64 : i32
        %mul3A_277 = arith.muli %scan3A_259, %mul3A_276 : i32
        %add3A_278 = arith.constant 16 : i32
        %add3A_279 = arith.addi %mul3A_277, %add3A_278 : i32
        %get3A_280 = arith.index_cast %scan3A_259 : i32 to index
        %get3A_281 = arith.constant 16 : index
        %get3A_282 = tpu.vector_load %arg11[%get3A_280, %get3A_281] {strides = array<i32>} : memref<100x64xf32, #tpu.memory_space<vmem>>, vector<1x16xf32>,
        %get3A_283 = vector.shape_cast %get3A_282 : vector<1x16xf32> to vector<16xf32>
        %get3A_284 = arith.index_cast %add3A_260 : i32 to index
        %get3A_285 = arith.constant 16 : index
        %get3A_286 = tpu.vector_load %arg7[%get3A_284, %get3A_285] {strides = array<i32>} : memref<200x64xf32, #tpu.memory_space<vmem>>, vector<1x16xf32>,
        %get3A_287 = vector.shape_cast %get3A_286 : vector<1x16xf32> to vector<16xf32>
        %add3A_288 = arith.addf %get3A_283, %get3A_287 : vector<16xf32>
        %swap3A_289 = arith.index_cast %add3A_279 : i32 to index
        %swap3A_290 = tpu.vector_load %arg15[%swap3A_289] {strides = array<i32>} : memref<6400xf32, #tpu.memory_space<vmem>>, vector<16xf32>,
        %swap3A_291 = vector.shape_cast %swap3A_290 : vector<16xf32> to vector<16xf32>
        %swap3A_292 = vector.shape_cast %add3A_288 : vector<16xf32> to vector<16xf32>
        tpu.vector_store %arg15[%swap3A_289], %swap3A_292 {strides = array<i32>} : memref<6400xf32, #tpu.memory_space<vmem>>, vector<16xf32>,
        %mul3A_293 = arith.constant 64 : i32
        %mul3A_294 = arith.muli %scan3A_259, %mul3A_293 : i32
        %add3A_295 = arith.constant 32 : i32
        %add3A_296 = arith.addi %mul3A_294, %add3A_295 : i32
        %get3A_297 = arith.index_cast %scan3A_259 : i32 to index
        %get3A_298 = arith.constant 32 : index
        %get3A_299 = tpu.vector_load %arg11[%get3A_297, %get3A_298] {strides = array<i32>} : memref<100x64xf32, #tpu.memory_space<vmem>>, vector<1x16xf32>,
        %get3A_300 = vector.shape_cast %get3A_299 : vector<1x16xf32> to vector<16xf32>
        %get3A_301 = arith.index_cast %add3A_260 : i32 to index
        %get3A_302 = arith.constant 32 : index
        %get3A_303 = tpu.vector_load %arg7[%get3A_301, %get3A_302] {strides = array<i32>} : memref<200x64xf32, #tpu.memory_space<vmem>>, vector<1x16xf32>,
        %get3A_304 = vector.shape_cast %get3A_303 : vector<1x16xf32> to vector<16xf32>
        %add3A_305 = arith.addf %get3A_300, %get3A_304 : vector<16xf32>
        %swap3A_306 = arith.index_cast %add3A_296 : i32 to index
        %swap3A_307 = tpu.vector_load %arg15[%swap3A_306] {strides = array<i32>} : memref<6400xf32, #tpu.memory_space<vmem>>, vector<16xf32>,
        %swap3A_308 = vector.shape_cast %swap3A_307 : vector<16xf32> to vector<16xf32>
        %swap3A_309 = vector.shape_cast %add3A_305 : vector<16xf32> to vector<16xf32>
        tpu.vector_store %arg15[%swap3A_306], %swap3A_309 {strides = array<i32>} : memref<6400xf32, #tpu.memory_space<vmem>>, vector<16xf32>,
        %mul3A_310 = arith.constant 64 : i32
        %mul3A_311 = arith.muli %scan3A_259, %mul3A_310 : i32
        %add3A_312 = arith.constant 48 : i32
        %add3A_313 = arith.addi %mul3A_311, %add3A_312 : i32
        %get3A_314 = arith.index_cast %scan3A_259 : i32 to index
        %get3A_315 = arith.constant 48 : index
        %get3A_316 = tpu.vector_load %arg11[%get3A_314, %get3A_315] {strides = array<i32>} : memref<100x64xf32, #tpu.memory_space<vmem>>, vector<1x16xf32>,
        %get3A_317 = vector.shape_cast %get3A_316 : vector<1x16xf32> to vector<16xf32>
        %get3A_318 = arith.index_cast %add3A_260 : i32 to index
        %get3A_319 = arith.constant 48 : index
        %get3A_320 = tpu.vector_load %arg7[%get3A_318, %get3A_319] {strides = array<i32>} : memref<200x64xf32, #tpu.memory_space<vmem>>, vector<1x16xf32>,
        %get3A_321 = vector.shape_cast %get3A_320 : vector<1x16xf32> to vector<16xf32>
        %add3A_322 = arith.addf %get3A_317, %get3A_321 : vector<16xf32>
        %swap3A_323 = arith.index_cast %add3A_313 : i32 to index
        %swap3A_324 = tpu.vector_load %arg15[%swap3A_323] {strides = array<i32>} : memref<6400xf32, #tpu.memory_space<vmem>>, vector<16xf32>,
        %swap3A_325 = vector.shape_cast %swap3A_324 : vector<16xf32> to vector<16xf32>
        %swap3A_326 = vector.shape_cast %add3A_322 : vector<16xf32> to vector<16xf32>
        tpu.vector_store %arg15[%swap3A_323], %swap3A_326 {strides = array<i32>} : memref<6400xf32, #tpu.memory_space<vmem>>, vector<16xf32>,
      }
      %scan3A_244 = arith.constant 100 : i32
      %mul3A_245 = arith.constant 100 : i32
      %mul3A_246 = arith.muli %add3A_209, %mul3A_245 : i32
      %mul3A_247 = arith.constant 64 : i32
      %mul3A_248 = arith.muli %mul3A_246, %mul3A_247 : i32
      %add3A_249 = arith.addi %mul3A_8, %mul3A_248 : i32
      %dma_start3A_250 = tpu.memref_slice %arg5[%add3A_249] : memref<52428800xf32, #tpu.memory_space<hbm>> -> memref<6400xf32, #tpu.memory_space<hbm>>
      %dma_start3A_251 = tpu.memref_slice %arg5[%add3A_249] : memref<52428800xf32, #tpu.memory_space<hbm>> -> memref<6400xf32, #tpu.memory_space<hbm>>
      tpu.enqueue_dma source(%arg15 : memref<6400xf32, #tpu.memory_space<vmem>>) target(%dma_start3A_251 : memref<6400xf32, #tpu.memory_space<hbm>>) target_semaphore(%arg23 : memref<!tpu.dma_semaphore, #tpu.memory_space<semaphore_mem>>)
      %add3A_252 = arith.constant 4 : i32
      %add3A_253 = arith.addi %add3A_209, %add3A_252 : i32
      %lt3A_254 = arith.constant 256 : i32
      %lt3A_255 = arith.cmpi slt, %add3A_253, %lt3A_254 : i32
      %convert_element_type3A_256 = arith.extui %lt3A_255 : i1 to i32
      %cond3A_257 = arith.constant 0 : i32
      %cond3A_258 = arith.cmpi ne, %convert_element_type3A_256, %cond3A_257 : i32
      scf.if %cond3A_258 {
        %add3A_259 = arith.constant 4 : i32
        %add3A_260 = arith.addi %add3A_209, %add3A_259 : i32
        %dma_start3A_261 = arith.constant 0 : i32
        %dma_start3A_262 = tpu.memref_slice %arg6[%add3A_260, %dma_start3A_261] : memref<256x100xi32, #tpu.memory_space<vmem>> -> memref<1x100xi32, #tpu.memory_space<vmem>>
        %dma_start3A_263 = tpu.memref_squeeze %dma_start3A_262 : memref<1x100xi32, #tpu.memory_space<vmem>> -> memref<100xi32, #tpu.memory_space<vmem>>
        %dma_start3A_264 = arith.constant 0 : i32
        %dma_start3A_265 = arith.constant 0 : i32
        %dma_start3A_266 = tpu.memref_slice %arg3[%dma_start3A_264, %dma_start3A_265] : memref<1000000x64xf32, #tpu.memory_space<hbm>> -> memref<1000000x64xf32, #tpu.memory_space<hbm>>
        tpu.enqueue_indirect_dma source(%dma_start3A_266 : memref<1000000x64xf32, #tpu.memory_space<hbm>>) target(%arg11 : memref<100x64xf32, #tpu.memory_space<vmem>>) offsets(%dma_start3A_263 : memref<100xi32, #tpu.memory_space<vmem>>) semaphore(%arg19 : memref<!tpu.dma_semaphore, #tpu.memory_space<semaphore_mem>>)
      } else {
      }
    }
    %scan3A_40 = arith.constant 64 : i32
    %add3A_41 = arith.constant 1612800 : i32
    %add3A_42 = arith.addi %mul3A_8, %add3A_41 : i32
    %dma_wait3A = tpu.memref_slice %arg5[%add3A_42] : memref<52428800xf32, #tpu.memory_space<hbm>> -> memref<6400xf32, #tpu.memory_space<hbm>>
    %dma_wait3A_43 = tpu.memref_slice %arg5[%add3A_42] : memref<52428800xf32, #tpu.memory_space<hbm>> -> memref<6400xf32, #tpu.memory_space<hbm>>
    tpu.wait_dma2 semaphore(%arg20 : memref<!tpu.dma_semaphore, #tpu.memory_space<semaphore_mem>>) src(%arg12 : memref<6400xf32, #tpu.memory_space<vmem>>) dst(%dma_wait3A_43 : memref<6400xf32, #tpu.memory_space<hbm>>)
    %add3A_44 = arith.constant 1619200 : i32
    %add3A_45 = arith.addi %mul3A_8, %add3A_44 : i32
    %dma_wait3A_46 = tpu.memref_slice %arg5[%add3A_45] : memref<52428800xf32, #tpu.memory_space<hbm>> -> memref<6400xf32, #tpu.memory_space<hbm>>
    %dma_wait3A_47 = tpu.memref_slice %arg5[%add3A_45] : memref<52428800xf32, #tpu.memory_space<hbm>> -> memref<6400xf32, #tpu.memory_space<hbm>>
    tpu.wait_dma2 semaphore(%arg21 : memref<!tpu.dma_semaphore, #tpu.memory_space<semaphore_mem>>) src(%arg13 : memref<6400xf32, #tpu.memory_space<vmem>>) dst(%dma_wait3A_47 : memref<6400xf32, #tpu.memory_space<hbm>>)
    %add3A_48 = arith.constant 1625600 : i32
    %add3A_49 = arith.addi %mul3A_8, %add3A_48 : i32
    %dma_wait3A_50 = tpu.memref_slice %arg5[%add3A_49] : memref<52428800xf32, #tpu.memory_space<hbm>> -> memref<6400xf32, #tpu.memory_space<hbm>>
    %dma_wait3A_51 = tpu.memref_slice %arg5[%add3A_49] : memref<52428800xf32, #tpu.memory_space<hbm>> -> memref<6400xf32, #tpu.memory_space<hbm>>
    tpu.wait_dma2 semaphore(%arg22 : memref<!tpu.dma_semaphore, #tpu.memory_space<semaphore_mem>>) src(%arg14 : memref<6400xf32, #tpu.memory_space<vmem>>) dst(%dma_wait3A_51 : memref<6400xf32, #tpu.memory_space<hbm>>)
    %add3A_52 = arith.constant 1632000 : i32
    %add3A_53 = arith.addi %mul3A_8, %add3A_52 : i32
    %dma_wait3A_54 = tpu.memref_slice %arg5[%add3A_53] : memref<52428800xf32, #tpu.memory_space<hbm>> -> memref<6400xf32, #tpu.memory_space<hbm>>
    %dma_wait3A_55 = tpu.memref_slice %arg5[%add3A_53] : memref<52428800xf32, #tpu.memory_space<hbm>> -> memref<6400xf32, #tpu.memory_space<hbm>>
    tpu.wait_dma2 semaphore(%arg23 : memref<!tpu.dma_semaphore, #tpu.memory_space<semaphore_mem>>) src(%arg15 : memref<6400xf32, #tpu.memory_space<vmem>>) dst(%dma_wait3A_55 : memref<6400xf32, #tpu.memory_space<hbm>>)
    return
  }
}

</mosaic_0001>

<sc_bundles>
// kernel: kernel.3.cloned.1.call-start
scs
__scs_entry_jumppad:
0x0: {  	(pc) =	sbr.rel $0x88, $3  }
0x1: {  	(tag) =	ssettag $0x0;
	lr =	simm.s32 $0x1  }
0x2: {  	[smem:$0x3F9F] =	sst lr;
	_ =	strace $0xD0000000  }
0x3: {  	_ = 	snop  }
0x4: {  	_ = 	snop  }
0x5: {  	_ = 	snop  }
0x6: {  	_ = 	snop  }
0x7: {  	_ = 	snop  }
__scs_overlays_trampoline_lowered:
0x8: {  	[smem:$0x3FAE] =	sst s0  }
0x9: {  	[smem:$0x3FAF] =	sst s1  }
0xa: {  	[smem:$0x3FB0] =	sst s2  }
0xb: {  	[smem:$0x3FB1] =	sst s3  }
0xc: {  	[smem:$0x3FB2] =	sst s4  }
0xd: {  	[smem:$0x3FB3] =	sst s5  }
0xe: {  	[smem:$0x3FB4] =	sst s6  }
0xf: {  	[smem:$0x3FB5] =	sst s7  }
0x10: {  	[smem:$0x3FB6] =	sst s8  }
0x11: {  	[smem:$0x3FB7] =	sst s9;
	s0 =	simm.s32 @!p0 $0x0  }
0x12: {  	s1 =	sld [smem:$0x3F9D];
	s0 =	simm.s32 @p0 $0x1  }
0x13: {  	[smem:$0x3FB8] =	sst s0;
	s0 =	simm.s32 @!p1 $0x0  }
0x14: {  	s2 =	sld [smem:$0x3F9C];
	s0 =	simm.s32 @p1 $0x1  }
0x15: {  	[smem:$0x3FB9] =	sst s0;
	s0 =	simm.s32 @!p2 $0x0  }
0x16: {  	s3 =	sld [smem:$0x3FDB];
	s0 =	simm.s32 @p2 $0x1  }
0x17: {  	s4 =	simm.s32 $0x1BF5;
	[smem:$0x3FBB] =	sst s0  }
0x18: {  	s0 =	sld [smem:$0x3F9E];
	_ =	swait.ge [sflag:s4], $0x0  }
0x19: {  	s7 =	sld [smem:$0x3F9F]  }
0x1a: {  	s8 =	sadd.s32 $0xFFFFE003, lr  }
0x1b: {  	s9 =	sadd.s32 $0xFFFFFEF7, lr;
	s5 =	simm.s32 $0xFFFFFFFF;
	p2 =	slt.u32 s8, $0xFFFFF086  }
0x1c: {  	p1 =	slt.u32 s9, $0xF7A;
	s5 =	simm.s32 @!p2 $0x0  }
0x1d: {  	s5 =	simm.s32 @p1 $0x1;
	p0 =	seq.s32 s7, s2  }
0x1e: {  	s7 =	smul.u32 @!p0 $0xF7A, s2;
	p2 =	seq.s32 @!p0 s5, $0x0  }
0x1f: {  	s9 =	smul.u32 $0xF7A, s1;
	s8 =	simm.s32 @!p0 $0x1BF5;
	p2 =	por !p2, p0  }
0x20: {  	[sflag:s8] =	ssyncset.s32 @!p0 $0xFFFFF086;
	s6 =	sadd.s32 @!p0 s3, s7;
	s7 =	simm.s32 @!p0 $0x108  }
0x21: {  	s3 =	sadd.s32 s3, s9;
	s6 =	sadd.s32 @!p0 $0x88, s6;
	s7 =	simm.s32 @p2 $0x1082  }
0x22: {  	[simem:s7], [sflag:s8] =	dma.local @!p0 [hbm:s6], $0xF7A  }
0x23: {  	s9 =	sor.u32 $0xD0000000, s2;
	s6 =	simm.s32 $0x108;
	_ =	swait.ge @!p0 [sflag:s8], $0x0  }
0x24: {  	s3 =	sadd.s32 $0x88, s3;
	s6 =	simm.s32 @!p1 $0x1082;
	[sflag:s4] =	ssyncset.s32 $0xFFFFF086  }
0x25: {  	[simem:s6], [sflag:s4] =	dma.local [hbm:s3], $0xF7A  }
0x26: {  	[smem:$0x3F9F] =	sst s1;
	(tag) =	ssettag s2;
	_ =	strace s9  }
0x27: {  	s1 =	sld [smem:$0x3FAF]  }
0x28: {  	s2 =	sld [smem:$0x3FB0]  }
0x29: {  	s4 =	sld [smem:$0x3FB2]  }
0x2a: {  	p0 =	seq.s32 s5, $0x0;
	s5 =	sld [smem:$0x3FB3]  }
0x2b: {  	s6 =	sld [smem:$0x3FB4]  }
0x2c: {  	s7 =	sld [smem:$0x3FB5]  }
0x2d: {  	s3 =	simm.s32 $0x108;
	s8 =	sld [smem:$0x3FB6]  }
0x2e: {  	s3 =	simm.s32 @!p0 $0x1082;
	s9 =	sld [smem:$0x3FB7]  }
0x2f: {  	lr =	sadd.s32 s0, s3;
	s0 =	sld [smem:$0x3FAE]  }
0x30: {  	s3 =	sld [smem:$0x3FB1]  }
0x31: {  	[smem:$0x3FBA] =	sst s10  }
0x32: {  	s10 =	sld [smem:$0x3FB8];
	_ =	sdelay $0x3  }
0x33: {  	p0 =	seq.s32 s10, $0x1;
	s10 =	sld [smem:$0x3FBA];
	_ =	sdelay $0x3  }
0x34: {  	[smem:$0x3FBA] =	sst s10  }
0x35: {  	s10 =	sld [smem:$0x3FB9];
	_ =	sdelay $0x3  }
0x36: {  	p1 =	seq.s32 s10, $0x1;
	s10 =	sld [smem:$0x3FBA];
	_ =	sdelay $0x3  }
0x37: {  	[smem:$0x3FBA] =	sst s10  }
0x38: {  	s10 =	sld [smem:$0x3FBB]  }
0x39: {  	_ = 	snop;
	(pc) =	sbr.ind lr, $3  }
0x3a: {  	_ = 	snop  }
0x3b: {  	_ = 	snop  }
0x3c: {  	p2 =	seq.s32 s10, $0x1;
	s10 =	sld [smem:$0x3FBA]  }
0x3d: {  	_ =	shalt  }
0x3e: {  	_ =	shalt  }
0x3f: {  	_ =	shalt  }
0x40: {  	_ =	shalt  }
0x41: {  	_ =	shalt  }
0x42: {  	_ =	shalt  }
0x43: {  	_ =	shalt  }
0x44: {  	_ =	shalt  }
0x45: {  	_ =	shalt  }
0x46: {  	_ =	shalt  }
0x47: {  	_ =	shalt  }
0x48: {  	_ =	shalt  }
0x49: {  	_ =	shalt  }
0x4a: {  	_ =	shalt  }
0x4b: {  	_ =	shalt  }
0x4c: {  	_ =	shalt  }
0x4d: {  	_ =	shalt  }
0x4e: {  	_ =	shalt  }
0x4f: {  	_ =	shalt  }
0x50: {  	_ =	shalt  }
0x51: {  	_ =	shalt  }
0x52: {  	_ =	shalt  }
0x53: {  	_ =	shalt  }
0x54: {  	_ =	shalt  }
0x55: {  	_ =	shalt  }
0x56: {  	_ =	shalt  }
0x57: {  	_ =	shalt  }
0x58: {  	_ =	shalt  }
0x59: {  	_ =	shalt  }
0x5a: {  	_ =	shalt  }
0x5b: {  	_ =	shalt  }
0x5c: {  	_ =	shalt  }
0x5d: {  	_ =	shalt  }
0x5e: {  	_ =	shalt  }
0x5f: {  	_ =	shalt  }
0x60: {  	_ =	shalt  }
0x61: {  	_ =	shalt  }
0x62: {  	_ =	shalt  }
0x63: {  	_ =	shalt  }
0x64: {  	_ =	shalt  }
0x65: {  	_ =	shalt  }
0x66: {  	_ =	shalt  }
0x67: {  	_ =	shalt  }
0x68: {  	_ =	shalt  }
0x69: {  	_ =	shalt  }
0x6a: {  	_ =	shalt  }
0x6b: {  	_ =	shalt  }
0x6c: {  	_ =	shalt  }
0x6d: {  	_ =	shalt  }
0x6e: {  	_ =	shalt  }
0x6f: {  	_ =	shalt  }
0x70: {  	_ =	shalt  }
0x71: {  	_ =	shalt  }
0x72: {  	_ =	shalt  }
0x73: {  	_ =	shalt  }
0x74: {  	_ =	shalt  }
0x75: {  	_ =	shalt  }
0x76: {  	_ =	shalt  }
0x77: {  	_ =	shalt  }
0x78: {  	_ =	shalt  }
0x79: {  	_ =	shalt  }
0x7a: {  	_ =	shalt  }
0x7b: {  	_ =	shalt  }
0x7c: {  	_ =	shalt  }
0x7d: {  	_ =	shalt  }
0x7e: {  	_ =	shalt  }
0x7f: {  	_ =	shalt  }
0x80: {  	_ =	shalt  }
0x81: {  	_ =	shalt  }
0x82: {  	_ =	shalt  }
0x83: {  	_ =	shalt  }
0x84: {  	_ =	shalt  }
0x85: {  	_ =	shalt  }
0x86: {  	_ =	shalt  }
0x87: {  	_ =	shalt  }
.Lfunc_end0:
.L_simem_size_0:
called_computation.1_lowered:
.L_overlay_start_0:
0x88: {  	s2 =	sld [smem:$0x3FD9]  }
0x89: {  	s3 =	sld [smem:$0x3FFE];
	_ =	sdelay $0x1  }
0x8a: {  	s1 =	srdreg.scid  }
0x8b: {  	s0 =	sand.u32 $0x1, s1  }
0x8c: {  	s17 =	sshll.u32 s0, $0xA;
	s2 =	sadd.s32 s3, s2  }
0x8d: {  	s2 =	sadd.s32 s2, s17  }
0x8e: {  	[smem:$0x3FC6] =	sst s2  }
0x8f: {  	_ = 	snop  }
0x90: {  	s2 =	sld [smem:$0x3FD0];
	(tm) =	ssettm $0x1  }
0x91: {  	s18 =	sld [smem:$0x3FFB];
	_ =	sdelay $0x3  }
0x92: {  	_ =	strace s18  }
0x93: {  	s3 =	sld [smem:$0x3FFC];
	_ =	sdelay $0x3  }
0x94: {  	_ =	strace s3  }
0x95: {  	s3 =	sld [smem:$0x3FFD];
	_ =	sdelay $0x3  }
0x96: {  	_ =	strace s3  }
0x97: {  	_ =	strace $0x8FFFFFFF  }
0x98: {  	s19 =	sld [smem:$0x3FDB];
	_ =	sdelay $0x1  }
0x99: {  	s4 =	simm.s32 $_scs_section_size  }
0x9a: {  	s5 =	simm.s32 $_size__tile_overlayer_lowered;
	s6 =	simm.s32 $_tile_overlayer_lowered  }
0x9b: {  	s22 =	simm.s32 $0x1BFF;
	s21 =	sshll.u32 s6, $0x1;
	s3 =	sadd.s32 s4, s19  }
0x9c: {  	s7 =	simm.s32 $0x0;
	s20 =	sshll.u32 s5, $0x1;
	s5 =	sadd.s32 s21, s3  }
0x9d: {  	[timem:s7], [sflag:s22] =	dma.local [hbm:s5], s20  }
0x9e: {  	_ =	swait.ge [sflag:s22], s20  }
0x9f: {  	s4 =	ssub.s32 $0x0, s20;
	[sflag:s22] =	ssyncset.done $0x0  }
0xa0: {  	[sflag:s22] =	ssyncadd.s32 s4;
	_ =	sdelay $0x1  }
0xa1: {  	s23 =	simm.s32 $0x1B8B  }
0xa2: {  	_ =	swait.ge [sflag:s23], $0x1  }
0xa3: {  	[sflag:s23] =	ssyncset.done $0x0  }
0xa4: {  	s25 =	simm.s32 $0x1B8E;
	s24 =	sld [smem:$0x3FFE];
	[sflag:s23] =	ssyncadd.s32 $0xFFFFFFFF  }
0xa5: {  	s26 =	simm.s32 $execute0_lowered;
	[smem:$0x3FD2] =	sst s25  }
0xa6: {  	s5 =	sshll.u32 s26, $0x1;
	_ =	strace $0x80000046;
	[dreg:$0x1] =	wrdreg $0xFFFFFFFF  }
0xa7: {  	s28 =	simm.s32 $_size_execute0_lowered;
	s3 =	sadd.s32 s3, s5;
	[dreg:$0x0] =	wrdreg $0x0  }
0xa8: {  	s5 =	sshll.u32 s28, $0x1;
	[dreg:$0x2] =	wrdreg s3  }
0xa9: {  	[dreg:$0x3] =	wrdreg s5  }
0xaa: {  	[dreg:$0x4] =	wrdreg $0xC0  }
0xab: {  	_ =	task [dreg:s7], $0x5FFFF  }
0xac: {  	[dreg:$0x1] =	wrdreg $0xFFFFFFFF  }
0xad: {  	[dreg:$0x0] =	wrdreg $0x60  }
0xae: {  	[dreg:$0x2] =	wrdreg s24  }
0xaf: {  	[dreg:$0x3] =	wrdreg s2  }
0xb0: {  	[dreg:$0x4] =	wrdreg $0x9  }
0xb1: {  	_ =	task.clear_ibuf [dreg:s7], $0x5FFFF;
	_ =	strace $0x90000046  }
0xb2: {  	s29 =	simm.s32 $0x9;
	_ =	strace $0x80000048  }
0xb3: {  	_ =	swait.ge [sflag:s29], $0x1  }
0xb4: {  	[sflag:s29] =	ssyncadd.s32 $0xFFFFFFFF  }
0xb5: {  	_ =	strace $0x90000048  }
0xb6: {  	_ =	sfence  }
0xb7: {  	s30 =	sld [smem:$0x0];
	_ =	sdelay $0x2  }
0xb8: {  	s31 =	sshll.u32 s1, $0xD;
	s1 =	sshrl.u32 s1, $0x2  }
0xb9: {  	s3 =	sand.u32 $0x4000, s31;
	s1 =	sadd.s32 s1, s30  }
0xba: {  	s0 =	sor.u32 s3, s0;
	s1 =	sshll.u32 s1, $0x11  }
0xbb: {  	s0 =	sor.u32 s1, s0  }
0xbc: {  	s0 =	sadd.s32 $0x8F2B, s0  }
0xbd: {  	[sflag:s0] =	ssyncadd.remote.s32 $0x1  }
0xbe: {  	_ =	sfence.sel $0xFFFF  }
0xbf: {  	[dreg:$0x0] =	wrdreg $0xFFFFFFFF;
	(pc) =	sbr.abs _section_cstart, $3  }
0xc0: {  	[dreg:$0x1] =	wrdreg $0xFFFFFFFF  }
0xc1: {  	_ =	task.clear_ibuf [dreg:s7], $0x2FFFF;
	_ =	strace $0x9FFFFFFF  }
0xc2: {  	(tm) =	ssettm $0x7FFFFFFF  }
0xc3: {  	_ =	shalt  }
tec
execute0_lowered:
.L_overlay_start_1:
0x0: {  	(tag) =	ssettag $0x1  }
0x1: {  	s0 =	srdreg.scid  }
0x2: {  	s2 =	stileid.u32;
	s1 =	rddreg [dreg:$0x0];
	s12 =	simm.s32 $0x9  }
0x3: {  	s14 =	simm.s32 $0x64;
	s15 =	simm.s32 $0x9A00;
	s17 =	simm.s32 $0xB300  }
0x4: {  	s19 =	simm.s32 $0xCC00;
	s21 =	simm.s32 $0xE500;
	s22 =	simm.s32 $0x1  }
0x5: {  	s23 =	simm.s32 $0xFE00;
	s24 =	simm.s32 $0x2;
	s25 =	simm.s32 $0x6  }
0x6: {  	s28 =	simm.s32 $0x3;
	s29 =	simm.s32 $0x7;
	s30 =	simm.s32 $0x13000  }
0x7: {  	s31 =	simm.s32 $0x4;
	s13 =	simm.s32 $0x5;
	s16 =	simm.s32 $0x0  }
0x8: {  	s0 =	sand.u32 $0x1, s0;
	s3 =	sshll.u32 s2, $0x1;
	s2 =	rddreg [dreg:$0x1]  }
0x9: {  	s5 =	sor.u32 s0, s3;
	s3 =	simm.s32 $0x0;
	s0 =	ssub.s32 $0x2, s0  }
0xa: {  	s4 =	smul.u32 $0xD00, s5;
	[smem:$0x7FF] =	sst s3;
	s7 =	sshrl.u32 s0, $0x1  }
0xb: {  	s5 =	smul.u32 $0x190000, s5;
	_ =	strace $0x80000047;
	s0 =	ssub.s32 s0, s7  }
.Ltmp0:
0xc: {  	s6 =	sadd.s32 s4, s1;
	s4 =	sadd.s32 $0xF43000, s1;
	(pc) =	sbr.rel .LBB2_1-.Ltmp0, $4  }
0xd: {  	s1 =	sadd.s32 $0x1AC00, s1;
	s8 =	sor.u32 $0x1900, s5;
	s9 =	sor.u32 $0x3200, s5  }
0xe: {  	s10 =	sor.u32 $0x4B00, s5;
	s0 =	smax.u32 s0, $0x1;
	[dreg:$0x3] =	wrdreg s1  }
0xf: {  	s26 =	sadd.s32 $0xC00, s6;
	[dreg:$0x5] =	wrdreg s0;
	s1 =	simm.s32 $0x8  }
0x10: {  	s0 =	simm.s32 $0x14900;
	[dreg:$0x4] =	wrdreg s26;
	s26 =	simm.s32 $0x11700  }
.LBB2_24:
0x11: {  	_ =	swait.ge [sflag:s13], $0x1900  }
0x12: {  	[sflag:s13] =	ssyncset.done $0x0  }
0x13: {  	[sflag:s13] =	ssyncadd.s32 $0xFFFFE700  }
0x14: {  	_ =	swait.ge [sflag:s25], $0x1900  }
0x15: {  	[sflag:s25] =	ssyncset.done $0x0  }
0x16: {  	[sflag:s25] =	ssyncadd.s32 $0xFFFFE700  }
0x17: {  	_ =	swait.ge [sflag:s29], $0x1900  }
0x18: {  	[sflag:s29] =	ssyncset.done $0x0  }
0x19: {  	[sflag:s29] =	ssyncadd.s32 $0xFFFFE700  }
0x1a: {  	_ =	swait.ge [sflag:s1], $0x1900  }
0x1b: {  	s16 =	sadd.s32 $0x1, s16;
	s6 =	rddreg [dreg:$0x5]  }
0x1c: {  	p0 =	sne.s32 s16, s6  }
.Ltmp1:
0x1d: {  	_ = 	snop;
	(pc) =	sbr.rel @!p0 .LBB2_25-.Ltmp1, $3  }
0x1e: {  	_ =	sdelay $0x1  }
0x1f: {  	[sflag:s1] =	ssyncset.done $0x0  }
0x20: {  	[sflag:s1] =	ssyncadd.s32 $0xFFFFE700  }
.LBB2_1:
0x21: {  	s6 =	rddreg [dreg:$0x4]  }
0x22: {  	[tilespmem:s3], [sflag:$0x9] =	stream.linear.gather [hbm4b:s6+s3], $0x6800, $0x38;
	[tilespmem:$0x16200] =	vst v63  }
0x23: {  	_ =	swait.ge [sflag:s12], $0x6800  }
0x24: {  	[sflag:s12] =	ssyncset.done $0x0  }
0x25: {  	s7 =	simm.s32 $0x6800;
	s20 =	rddreg [dreg:$0x3];
	[sflag:s12] =	ssyncadd.s32 $0xFFFF9800  }
0x26: {  	[tilespmem:s7], [sflag:$0x9] =	stream.linear.gather [hbm4b:s20+s3], $0x3200, $0x38;
	[tilespmem:$0x16200] =	vst v63  }
0x27: {  	_ =	swait.ge [sflag:s12], $0x3200  }
0x28: {  	[sflag:s12] =	ssyncset.done $0x0  }
0x29: {  	[sflag:s12] =	ssyncadd.s32 $0xFFFFCE00  }
0x2a: {  	[tilespmem:s15], [sflag:$0x1] =	stream.indirect.gather [hbm4b:s4+s14], $0x40, s3, s14, $0xb8;
	[tilespmem:$0x16200] =	vst v63  }
0x2b: {  	s11 =	simm.s32 $0x68  }
0x2c: {  	[tilespmem:s17], [sflag:$0x2] =	stream.indirect.gather [hbm4b:s4+s14], $0x40, s11, s14, $0xb8;
	[tilespmem:$0x16200] =	vst v63  }
0x2d: {  	s18 =	simm.s32 $0xD0  }
0x2e: {  	[tilespmem:s19], [sflag:$0x3] =	stream.indirect.gather [hbm4b:s4+s14], $0x40, s18, s14, $0xb8;
	[tilespmem:$0x16200] =	vst v63  }
0x2f: {  	s20 =	simm.s32 $0x138;
	s18 =	simm.s32 $0x0  }
0x30: {  	[tilespmem:s21], [sflag:$0x4] =	stream.indirect.gather [hbm4b:s4+s14], $0x40, s20, s14, $0xb8;
	[tilespmem:$0x16200] =	vst v63  }
.LBB2_2:
0x31: {  	_ =	swait.ge [sflag:s22], $0x1900  }
0x32: {  	p0 =	seq.s32 s18, $0x0;
	[sflag:s22] =	ssyncset.done $0x0  }
0x33: {  	s6 =	simm.s32 @!p0 $0x5;
	[sflag:s22] =	ssyncadd.s32 $0xFFFFE700  }
0x34: {  	_ =	swait.ge @!p0 [sflag:s6], $0x1900  }
0x35: {  	[sflag:s6] =	ssyncset.done @!p0 $0x0  }
0x36: {  	s20 =	simm.s32 $0x0;
	[sflag:s6] =	ssyncadd.s32 @!p0 $0xFFFFE700  }
0x37: {  	v2 =	vld [tilespmem:s20+$0x9A30]  }
0x38: {  	v4 =	vld [tilespmem:s20+$0x6830]  }
0x39: {  	v5 =	vld [tilespmem:s20+$0x9A00]  }
0x3a: {  	v6 =	vld [tilespmem:s20+$0x6800]  }
0x3b: {  	v1 =	vld [tilespmem:s20+$0x9A10]  }
0x3c: {  	v3 =	vld [tilespmem:s20+$0x6810]  }
0x3d: {  	v0 =	vld [tilespmem:s20+$0x9A20];
	v7 =	vadd.f32 v4, v2  }
0x3e: {  	s6 =	simm.s32 $0x40;
	v4 =	vld [tilespmem:s20+$0x6820]  }
0x3f: {  	s7 =	simm.s32 $0x200;
	v2 =	vld [tilespmem:s6+$0x9A30];
	v5 =	vadd.f32 v6, v5;
	[tilespmem:s20+$0xFE30] =	vst v7  }
.LBB2_3:
0x40: {  	p1 =	sne.s32 s7, $0x6300;
	v6 =	vld [tilespmem:s6+$0x6830]  }
0x41: {  	v7 =	vld [tilespmem:s6+$0x9A00];
	[tilespmem:s20+$0xFE00] =	vst v5;
	v3 =	vadd.f32 v3, v1  }
0x42: {  	v5 =	vld [tilespmem:s6+$0x6800]  }
.Ltmp2:
0x43: {  	v1 =	vld [tilespmem:s6+$0x9A10];
	[tilespmem:s20+$0xFE10] =	vst v3;
	v4 =	vadd.f32 v4, v0;
	(pc) =	sbr.rel @p1 .LBB2_3-.Ltmp2, $4  }
0x44: {  	v3 =	vld [tilespmem:s6+$0x6810]  }
0x45: {  	v0 =	vld [tilespmem:s6+$0x9A20];
	v6 =	vadd.f32 v6, v2;
	[tilespmem:s20+$0xFE20] =	vst v4;
	s20 =	smov.u32 s6  }
0x46: {  	s6 =	sshra.s32 s7, $0x2;
	v4 =	vld [tilespmem:s20+$0x6820]  }
0x47: {  	s7 =	sadd.s32 $0x100, s7;
	v2 =	vld [tilespmem:s6+$0x9A30];
	v5 =	vadd.f32 v5, v7;
	[tilespmem:s20+$0xFE30] =	vst v6  }
0x48: {  	v6 =	vld [tilespmem:s6+$0x6830]  }
0x49: {  	v7 =	vld [tilespmem:s6+$0x9A00];
	[tilespmem:s20+$0xFE00] =	vst v5;
	v1 =	vadd.f32 v3, v1  }
0x4a: {  	v62 =	vld [tilespmem:s6+$0x6800]  }
0x4b: {  	v5 =	vld [tilespmem:s6+$0x9A10];
	[tilespmem:s20+$0xFE10] =	vst v1;
	v0 =	vadd.f32 v4, v0  }
0x4c: {  	v1 =	vld [tilespmem:s6+$0x6810]  }
0x4d: {  	v63 =	vld [tilespmem:s6+$0x9A20];
	[tilespmem:s20+$0xFE20] =	vst v0  }
0x4e: {  	v0 =	vld [tilespmem:s6+$0x6820];
	_ =	sdelay $0x1  }
0x4f: {  	v2 =	vadd.f32 v6, v2  }
0x50: {  	p1 =	sne.s32 s18, $0x3F;
	s20 =	smul.u32 $0x6400, s18;
	v3 =	vadd.f32 v62, v7  }
.Ltmp3:
0x51: {  	[tilespmem:s6+$0xFE30] =	vst v2;
	v1 =	vadd.f32 v1, v5;
	(pc) =	sbr.rel @p1 .LBB2_6-.Ltmp3, $4  }
0x52: {  	s7 =	sadd.s32 s5, s20;
	[tilespmem:s6+$0xFE00] =	vst v3;
	v0 =	vadd.f32 v0, v63  }
0x53: {  	s7 =	sshrl.u32 s7, $0x3;
	[tilespmem:s6+$0xFE10] =	vst v1  }
0x54: {  	s11 =	sadd.s32 s2, s7;
	[tilespmem:s6+$0xFE20] =	vst v0  }
0x55: {  	[hbm4b:s11+s3] =	stream.linear.scatter [tilespmem:s23], [sflag:$0x5], $0x1900, $0x38;
	[tilespmem:$0x16200] =	vst v63  }
.Ltmp4:
0x56: {  	(pc) =	sbr.rel .LBB2_7-.Ltmp4, $4  }
0x57: {  	_ = 	snop  }
0x58: {  	_ =	swait.ge [sflag:s24], $0x1900  }
0x59: {  	[sflag:s24] =	ssyncset.done $0x0  }
0x5a: {  	[sflag:s24] =	ssyncadd.s32 $0xFFFFE700  }
.LBB2_6:
0x5b: {  	s6 =	smul.u32 $0x680, s18;
	_ =	sdelay $0x1  }
0x5c: {  	s6 =	sshra.s32 s6, $0x2  }
.Ltmp5:
0x5d: {  	s6 =	sadd.s32 $0x1A0, s6;
	(pc) =	sbr.rel @p0 .LBB2_8-.Ltmp5, $4  }
0x5e: {  	[tilespmem:s15], [sflag:$0x1] =	stream.indirect.gather [hbm4b:s4+s14], $0x40, s6, s14, $0xb8;
	[tilespmem:$0x16200] =	vst v63  }
0x5f: {  	_ =	swait.ge [sflag:s24], $0x1900  }
0x60: {  	[sflag:s24] =	ssyncset.done $0x0  }
0x61: {  	[sflag:s24] =	ssyncadd.s32 $0xFFFFE700  }
.LBB2_7:
0x62: {  	_ =	swait.ge [sflag:s25], $0x1900  }
0x63: {  	[sflag:s25] =	ssyncset.done $0x0  }
0x64: {  	[sflag:s25] =	ssyncadd.s32 $0xFFFFE700  }
.LBB2_8:
0x65: {  	s7 =	simm.s32 $0x0  }
0x66: {  	v2 =	vld [tilespmem:s7+$0xB330]  }
0x67: {  	v4 =	vld [tilespmem:s7+$0x8130]  }
0x68: {  	v5 =	vld [tilespmem:s7+$0xB300]  }
0x69: {  	v6 =	vld [tilespmem:s7+$0x8100]  }
0x6a: {  	v1 =	vld [tilespmem:s7+$0xB310]  }
0x6b: {  	v3 =	vld [tilespmem:s7+$0x8110]  }
0x6c: {  	v0 =	vld [tilespmem:s7+$0xB320];
	v7 =	vadd.f32 v4, v2  }
0x6d: {  	s6 =	simm.s32 $0x40;
	v4 =	vld [tilespmem:s7+$0x8120]  }
0x6e: {  	s11 =	simm.s32 $0x200;
	v2 =	vld [tilespmem:s6+$0xB330];
	v5 =	vadd.f32 v6, v5;
	[tilespmem:s7+$0x11730] =	vst v7  }
.LBB2_9:
0x6f: {  	p2 =	sne.s32 s11, $0x6300;
	v6 =	vld [tilespmem:s6+$0x8130]  }
0x70: {  	v7 =	vld [tilespmem:s6+$0xB300];
	[tilespmem:s7+$0x11700] =	vst v5;
	v3 =	vadd.f32 v3, v1  }
0x71: {  	v5 =	vld [tilespmem:s6+$0x8100]  }
.Ltmp6:
0x72: {  	v1 =	vld [tilespmem:s6+$0xB310];
	[tilespmem:s7+$0x11710] =	vst v3;
	v4 =	vadd.f32 v4, v0;
	(pc) =	sbr.rel @p2 .LBB2_9-.Ltmp6, $4  }
0x73: {  	v3 =	vld [tilespmem:s6+$0x8110]  }
0x74: {  	v0 =	vld [tilespmem:s6+$0xB320];
	v6 =	vadd.f32 v6, v2;
	[tilespmem:s7+$0x11720] =	vst v4;
	s7 =	smov.u32 s6  }
0x75: {  	s6 =	sshra.s32 s11, $0x2;
	v4 =	vld [tilespmem:s7+$0x8120]  }
0x76: {  	s11 =	sadd.s32 $0x100, s11;
	v2 =	vld [tilespmem:s6+$0xB330];
	v5 =	vadd.f32 v5, v7;
	[tilespmem:s7+$0x11730] =	vst v6  }
0x77: {  	v6 =	vld [tilespmem:s6+$0x8130]  }
0x78: {  	v7 =	vld [tilespmem:s6+$0xB300];
	[tilespmem:s7+$0x11700] =	vst v5;
	v1 =	vadd.f32 v3, v1  }
0x79: {  	v62 =	vld [tilespmem:s6+$0x8100]  }
0x7a: {  	v5 =	vld [tilespmem:s6+$0xB310];
	[tilespmem:s7+$0x11710] =	vst v1;
	v0 =	vadd.f32 v4, v0  }
0x7b: {  	v1 =	vld [tilespmem:s6+$0x8110]  }
0x7c: {  	v63 =	vld [tilespmem:s6+$0xB320];
	[tilespmem:s7+$0x11720] =	vst v0  }
0x7d: {  	v0 =	vld [tilespmem:s6+$0x8120];
	_ =	sdelay $0x1  }
0x7e: {  	v2 =	vadd.f32 v6, v2  }
0x7f: {  	v3 =	vadd.f32 v62, v7  }
.Ltmp7:
0x80: {  	[tilespmem:s6+$0x11730] =	vst v2;
	v1 =	vadd.f32 v1, v5;
	(pc) =	sbr.rel @p1 .LBB2_12-.Ltmp7, $4  }
0x81: {  	s11 =	sadd.s32 s20, s8;
	[tilespmem:s6+$0x11700] =	vst v3;
	v0 =	vadd.f32 v0, v63  }
0x82: {  	s7 =	sshrl.u32 s11, $0x3;
	[tilespmem:s6+$0x11710] =	vst v1  }
0x83: {  	s11 =	sadd.s32 s2, s7;
	[tilespmem:s6+$0x11720] =	vst v0  }
0x84: {  	[hbm4b:s11+s3] =	stream.linear.scatter [tilespmem:s26], [sflag:$0x6], $0x1900, $0x38;
	[tilespmem:$0x16200] =	vst v63  }
.Ltmp8:
0x85: {  	(pc) =	sbr.rel .LBB2_13-.Ltmp8, $4  }
0x86: {  	_ = 	snop  }
0x87: {  	_ =	swait.ge [sflag:s28], $0x1900  }
0x88: {  	[sflag:s28] =	ssyncset.done $0x0  }
0x89: {  	[sflag:s28] =	ssyncadd.s32 $0xFFFFE700  }
.LBB2_12:
0x8a: {  	s6 =	smul.u32 $0x680, s18;
	_ =	sdelay $0x1  }
0x8b: {  	s6 =	sshra.s32 s6, $0x2  }
.Ltmp9:
0x8c: {  	s6 =	sadd.s32 $0x208, s6;
	(pc) =	sbr.rel @p0 .LBB2_14-.Ltmp9, $4  }
0x8d: {  	[tilespmem:s17], [sflag:$0x2] =	stream.indirect.gather [hbm4b:s4+s14], $0x40, s6, s14, $0xb8;
	[tilespmem:$0x16200] =	vst v63  }
0x8e: {  	_ =	swait.ge [sflag:s28], $0x1900  }
0x8f: {  	[sflag:s28] =	ssyncset.done $0x0  }
0x90: {  	[sflag:s28] =	ssyncadd.s32 $0xFFFFE700  }
.LBB2_13:
0x91: {  	_ =	swait.ge [sflag:s29], $0x1900  }
0x92: {  	[sflag:s29] =	ssyncset.done $0x0  }
0x93: {  	[sflag:s29] =	ssyncadd.s32 $0xFFFFE700  }
.LBB2_14:
0x94: {  	s7 =	simm.s32 $0x0  }
0x95: {  	v2 =	vld [tilespmem:s7+$0xCC30]  }
0x96: {  	v4 =	vld [tilespmem:s7+$0x6830]  }
0x97: {  	v5 =	vld [tilespmem:s7+$0xCC00]  }
0x98: {  	v6 =	vld [tilespmem:s7+$0x6800]  }
0x99: {  	v1 =	vld [tilespmem:s7+$0xCC10]  }
0x9a: {  	v3 =	vld [tilespmem:s7+$0x6810]  }
0x9b: {  	v0 =	vld [tilespmem:s7+$0xCC20];
	v7 =	vadd.f32 v4, v2  }
0x9c: {  	s6 =	simm.s32 $0x40;
	v4 =	vld [tilespmem:s7+$0x6820]  }
0x9d: {  	s11 =	simm.s32 $0x200;
	v2 =	vld [tilespmem:s6+$0xCC30];
	v5 =	vadd.f32 v6, v5;
	[tilespmem:s7+$0x13030] =	vst v7  }
.LBB2_15:
0x9e: {  	p2 =	sne.s32 s11, $0x6300;
	v6 =	vld [tilespmem:s6+$0x6830]  }
0x9f: {  	v7 =	vld [tilespmem:s6+$0xCC00];
	[tilespmem:s7+$0x13000] =	vst v5;
	v3 =	vadd.f32 v3, v1  }
0xa0: {  	v5 =	vld [tilespmem:s6+$0x6800]  }
.Ltmp10:
0xa1: {  	v1 =	vld [tilespmem:s6+$0xCC10];
	[tilespmem:s7+$0x13010] =	vst v3;
	v4 =	vadd.f32 v4, v0;
	(pc) =	sbr.rel @p2 .LBB2_15-.Ltmp10, $4  }
0xa2: {  	v3 =	vld [tilespmem:s6+$0x6810]  }
0xa3: {  	v0 =	vld [tilespmem:s6+$0xCC20];
	v6 =	vadd.f32 v6, v2;
	[tilespmem:s7+$0x13020] =	vst v4;
	s7 =	smov.u32 s6  }
0xa4: {  	s6 =	sshra.s32 s11, $0x2;
	v4 =	vld [tilespmem:s7+$0x6820]  }
0xa5: {  	s11 =	sadd.s32 $0x100, s11;
	v2 =	vld [tilespmem:s6+$0xCC30];
	v5 =	vadd.f32 v5, v7;
	[tilespmem:s7+$0x13030] =	vst v6  }
0xa6: {  	v6 =	vld [tilespmem:s6+$0x6830]  }
0xa7: {  	v7 =	vld [tilespmem:s6+$0xCC00];
	[tilespmem:s7+$0x13000] =	vst v5;
	v1 =	vadd.f32 v3, v1  }
0xa8: {  	v62 =	vld [tilespmem:s6+$0x6800]  }
0xa9: {  	v5 =	vld [tilespmem:s6+$0xCC10];
	[tilespmem:s7+$0x13010] =	vst v1;
	v0 =	vadd.f32 v4, v0  }
0xaa: {  	v1 =	vld [tilespmem:s6+$0x6810]  }
0xab: {  	v63 =	vld [tilespmem:s6+$0xCC20];
	[tilespmem:s7+$0x13020] =	vst v0  }
0xac: {  	v0 =	vld [tilespmem:s6+$0x6820];
	_ =	sdelay $0x1  }
0xad: {  	v2 =	vadd.f32 v6, v2  }
0xae: {  	v3 =	vadd.f32 v62, v7  }
.Ltmp11:
0xaf: {  	[tilespmem:s6+$0x13030] =	vst v2;
	v1 =	vadd.f32 v1, v5;
	(pc) =	sbr.rel @p1 .LBB2_18-.Ltmp11, $4  }
0xb0: {  	s11 =	sadd.s32 s20, s9;
	[tilespmem:s6+$0x13000] =	vst v3;
	v0 =	vadd.f32 v0, v63  }
0xb1: {  	s7 =	sshrl.u32 s11, $0x3;
	[tilespmem:s6+$0x13010] =	vst v1  }
0xb2: {  	s11 =	sadd.s32 s2, s7;
	[tilespmem:s6+$0x13020] =	vst v0  }
0xb3: {  	[hbm4b:s11+s3] =	stream.linear.scatter [tilespmem:s30], [sflag:$0x7], $0x1900, $0x38;
	[tilespmem:$0x16200] =	vst v63  }
.Ltmp12:
0xb4: {  	(pc) =	sbr.rel .LBB2_19-.Ltmp12, $4  }
0xb5: {  	_ = 	snop  }
0xb6: {  	_ =	swait.ge [sflag:s31], $0x1900  }
0xb7: {  	[sflag:s31] =	ssyncset.done $0x0  }
0xb8: {  	[sflag:s31] =	ssyncadd.s32 $0xFFFFE700  }
.LBB2_18:
0xb9: {  	s6 =	smul.u32 $0x680, s18;
	_ =	sdelay $0x1  }
0xba: {  	s6 =	sshra.s32 s6, $0x2  }
.Ltmp13:
0xbb: {  	s6 =	sadd.s32 $0x270, s6;
	(pc) =	sbr.rel @p0 .LBB2_20-.Ltmp13, $4  }
0xbc: {  	[tilespmem:s19], [sflag:$0x3] =	stream.indirect.gather [hbm4b:s4+s14], $0x40, s6, s14, $0xb8;
	[tilespmem:$0x16200] =	vst v63  }
0xbd: {  	_ =	swait.ge [sflag:s31], $0x1900  }
0xbe: {  	[sflag:s31] =	ssyncset.done $0x0  }
0xbf: {  	[sflag:s31] =	ssyncadd.s32 $0xFFFFE700  }
.LBB2_19:
0xc0: {  	_ =	swait.ge [sflag:s1], $0x1900  }
0xc1: {  	[sflag:s1] =	ssyncset.done $0x0  }
0xc2: {  	[sflag:s1] =	ssyncadd.s32 $0xFFFFE700  }
.LBB2_20:
0xc3: {  	s7 =	simm.s32 $0x0  }
0xc4: {  	v2 =	vld [tilespmem:s7+$0xE530]  }
0xc5: {  	v4 =	vld [tilespmem:s7+$0x8130]  }
0xc6: {  	v5 =	vld [tilespmem:s7+$0xE500]  }
0xc7: {  	v6 =	vld [tilespmem:s7+$0x8100]  }
0xc8: {  	v1 =	vld [tilespmem:s7+$0xE510]  }
0xc9: {  	v3 =	vld [tilespmem:s7+$0x8110]  }
0xca: {  	v0 =	vld [tilespmem:s7+$0xE520];
	v7 =	vadd.f32 v4, v2  }
0xcb: {  	s6 =	simm.s32 $0x40;
	v4 =	vld [tilespmem:s7+$0x8120]  }
0xcc: {  	s11 =	simm.s32 $0x200;
	v2 =	vld [tilespmem:s6+$0xE530];
	v5 =	vadd.f32 v6, v5;
	[tilespmem:s7+$0x14930] =	vst v7  }
.LBB2_21:
0xcd: {  	p0 =	sne.s32 s11, $0x6300;
	v6 =	vld [tilespmem:s6+$0x8130]  }
0xce: {  	v7 =	vld [tilespmem:s6+$0xE500];
	[tilespmem:s7+$0x14900] =	vst v5;
	v3 =	vadd.f32 v3, v1  }
0xcf: {  	v5 =	vld [tilespmem:s6+$0x8100]  }
.Ltmp14:
0xd0: {  	v1 =	vld [tilespmem:s6+$0xE510];
	[tilespmem:s7+$0x14910] =	vst v3;
	v4 =	vadd.f32 v4, v0;
	(pc) =	sbr.rel @p0 .LBB2_21-.Ltmp14, $4  }
0xd1: {  	v3 =	vld [tilespmem:s6+$0x8110]  }
0xd2: {  	v0 =	vld [tilespmem:s6+$0xE520];
	v6 =	vadd.f32 v6, v2;
	[tilespmem:s7+$0x14920] =	vst v4;
	s7 =	smov.u32 s6  }
0xd3: {  	s6 =	sshra.s32 s11, $0x2;
	v4 =	vld [tilespmem:s7+$0x8120]  }
0xd4: {  	s11 =	sadd.s32 $0x100, s11;
	v2 =	vld [tilespmem:s6+$0xE530];
	v5 =	vadd.f32 v5, v7;
	[tilespmem:s7+$0x14930] =	vst v6  }
0xd5: {  	v6 =	vld [tilespmem:s6+$0x8130]  }
0xd6: {  	v7 =	vld [tilespmem:s6+$0xE500];
	[tilespmem:s7+$0x14900] =	vst v5;
	v1 =	vadd.f32 v3, v1  }
0xd7: {  	v62 =	vld [tilespmem:s6+$0x8100]  }
0xd8: {  	v5 =	vld [tilespmem:s6+$0xE510];
	[tilespmem:s7+$0x14910] =	vst v1;
	v0 =	vadd.f32 v4, v0  }
0xd9: {  	v1 =	vld [tilespmem:s6+$0x8110]  }
0xda: {  	v63 =	vld [tilespmem:s6+$0xE520];
	[tilespmem:s7+$0x14920] =	vst v0  }
0xdb: {  	v0 =	vld [tilespmem:s6+$0x8120];
	_ =	sdelay $0x1  }
0xdc: {  	v2 =	vadd.f32 v6, v2  }
0xdd: {  	p0 =	seq.s32 s18, $0x3F;
	v3 =	vadd.f32 v62, v7  }
.Ltmp15:
0xde: {  	[tilespmem:s6+$0x14930] =	vst v2;
	v1 =	vadd.f32 v1, v5;
	(pc) =	sbr.rel @p0 .LBB2_24-.Ltmp15, $4  }
0xdf: {  	s11 =	sadd.s32 s20, s10;
	[tilespmem:s6+$0x14900] =	vst v3;
	v0 =	vadd.f32 v0, v63  }
0xe0: {  	s7 =	sshrl.u32 s11, $0x3;
	[tilespmem:s6+$0x14910] =	vst v1  }
0xe1: {  	s20 =	sadd.s32 s2, s7;
	[tilespmem:s6+$0x14920] =	vst v0  }
0xe2: {  	[hbm4b:s20+s3] =	stream.linear.scatter [tilespmem:s0], [sflag:$0x8], $0x1900, $0x38;
	[tilespmem:$0x16200] =	vst v63  }
0xe3: {  	s6 =	smul.u32 $0x680, s18  }
.Ltmp16:
0xe4: {  	_ = 	snop;
	(pc) =	sbr.rel .LBB2_2-.Ltmp16, $4  }
0xe5: {  	_ = 	snop  }
0xe6: {  	s6 =	sshra.s32 s6, $0x2  }
0xe7: {  	s18 =	sadd.s32 $0x1, s18;
	s6 =	sadd.s32 $0x2D8, s6  }
0xe8: {  	[tilespmem:s21], [sflag:$0x4] =	stream.indirect.gather [hbm4b:s4+s14], $0x40, s6, s14, $0xb8;
	[tilespmem:$0x16200] =	vst v63  }
.LBB2_25:
0xe9: {  	_ =	sfence.sel $0x180000  }
0xea: {  	[bflag:$0x0] =	sbarrier.arrive $0xFFFF  }
0xeb: {  	_ =	strace $0x90000047  }
0xec: {  	s0 =	stileid.u32;
	[bflag:$0x2] =	sbarrier.arrive $0xFFFF  }
0xed: {  	p0 =	sne.s32 s0, $0x0;
	s0 =	rddreg [dreg:$0x2]  }
0xee: {  	s0 =	sadd.s32 @!p0 $0x100000, s0  }
0xef: {  	[sflag:s0] =	ssyncadd.tile.s32 @!p0 $0x1;
	_ =	shalt  }
.Lfunc_end2:
_tile_overlayer_lowered:
.L_overlay_start_2:
0xf0: {  	(tag) =	ssettag $0x2  }
0xf1: {  	s0 =	rddreg [dreg:$0x0];
	s2 =	stileid.u32  }
0xf2: {  	s1 =	rddreg [dreg:$0x1];
	p0 =	sne.s32 s2, $0x0  }
0xf3: {  	s3 =	rddreg [dreg:$0x2];
	[bflag:$0x3] =	sbarrier.arrive $0xFFFF;
	s2 =	simm.s32 @!p0 $0x1C09  }
0xf4: {  	[timem:s3], [sflag:s2] =	dma.local @!p0 [hbm:s0], s1  }
0xf5: {  	s0 =	simm.s32 @!p0 $0x9  }
0xf6: {  	_ =	swait.ge @!p0 [sflag:s0], s1  }
0xf7: {  	s1 =	ssub.s32 @!p0 $0x0, s1;
	[sflag:s0] =	ssyncset.done @!p0 $0x0  }
0xf8: {  	[sflag:s0] =	ssyncadd.s32 @!p0 s1  }
0xf9: {  	[bflag:$0x3] =	sbarrier.arrive $0xFFFF  }
0xfa: {  	_ =	shalt  }

// kernel: sparse-core-data-format-call.cloned.1.call-start
scs
called_computation_lowered:
.L_overlay_start_0:
0x0: {  	s2 =	sld [smem:$0x3FD9]  }
0x1: {  	s3 =	sld [smem:$0x3FFE];
	_ =	sdelay $0x1  }
0x2: {  	s1 =	srdreg.scid  }
0x3: {  	s0 =	sand.u32 $0x1, s1  }
0x4: {  	s18 =	sshll.u32 s0, $0xA;
	s2 =	sadd.s32 s3, s2  }
0x5: {  	s2 =	sadd.s32 s2, s18  }
0x6: {  	[smem:$0x3FC6] =	sst s2  }
0x7: {  	_ = 	snop  }
0x8: {  	s2 =	sld [smem:$0x3FD0];
	(tm) =	ssettm $0x1  }
0x9: {  	s19 =	sld [smem:$0x3FFB];
	_ =	sdelay $0x3  }
0xa: {  	_ =	strace s19  }
0xb: {  	s3 =	sld [smem:$0x3FFC];
	_ =	sdelay $0x3  }
0xc: {  	_ =	strace s3  }
0xd: {  	s3 =	sld [smem:$0x3FFD];
	_ =	sdelay $0x3  }
0xe: {  	_ =	strace s3  }
0xf: {  	_ =	strace $0x8FFFFFFF  }
0x10: {  	s20 =	sld [smem:$0x3FDB];
	_ =	sdelay $0x1  }
0x11: {  	s4 =	simm.s32 $_scs_section_size  }
0x12: {  	s5 =	simm.s32 $_size__tile_overlayer_lowered;
	s6 =	simm.s32 $_tile_overlayer_lowered  }
0x13: {  	s23 =	simm.s32 $0x1BFF;
	s22 =	sshll.u32 s6, $0x1;
	s3 =	sadd.s32 s4, s20  }
0x14: {  	s7 =	simm.s32 $0x0;
	s21 =	sshll.u32 s5, $0x1;
	s5 =	sadd.s32 s22, s3  }
0x15: {  	[timem:s7], [sflag:s23] =	dma.local [hbm:s5], s21  }
0x16: {  	_ =	swait.ge [sflag:s23], s21  }
0x17: {  	s4 =	ssub.s32 $0x0, s21;
	[sflag:s23] =	ssyncset.done $0x0  }
0x18: {  	[sflag:s23] =	ssyncadd.s32 s4;
	_ =	sdelay $0x1  }
0x19: {  	s24 =	simm.s32 $0x1B8B  }
0x1a: {  	_ =	swait.ge [sflag:s24], $0x1  }
0x1b: {  	[sflag:s24] =	ssyncset.done $0x0  }
0x1c: {  	s26 =	simm.s32 $0x1B8E;
	s25 =	sld [smem:$0x3FFE];
	[sflag:s24] =	ssyncadd.s32 $0xFFFFFFFF  }
0x1d: {  	s27 =	simm.s32 $execute0_lowered;
	[smem:$0x3FD2] =	sst s26  }
0x1e: {  	s5 =	sshll.u32 s27, $0x1;
	_ =	strace $0x80000049;
	[dreg:$0x1] =	wrdreg $0xFFFFFFFF  }
0x1f: {  	s28 =	simm.s32 $_size_execute0_lowered;
	s3 =	sadd.s32 s3, s5;
	[dreg:$0x0] =	wrdreg $0x0  }
0x20: {  	s5 =	sshll.u32 s28, $0x1;
	[dreg:$0x2] =	wrdreg s3  }
0x21: {  	[dreg:$0x3] =	wrdreg s5  }
0x22: {  	[dreg:$0x4] =	wrdreg $0xC0  }
0x23: {  	_ =	task [dreg:s7], $0x5FFFF  }
0x24: {  	[dreg:$0x1] =	wrdreg $0xFFFFFFFF  }
0x25: {  	[dreg:$0x0] =	wrdreg $0x60  }
0x26: {  	[dreg:$0x2] =	wrdreg s25  }
0x27: {  	[dreg:$0x3] =	wrdreg s2  }
0x28: {  	[dreg:$0x4] =	wrdreg $0x9  }
0x29: {  	_ =	task.clear_ibuf [dreg:s7], $0x5FFFF;
	_ =	strace $0x90000049  }
0x2a: {  	s29 =	simm.s32 $0x9;
	_ =	strace $0x8000004B  }
0x2b: {  	_ =	swait.ge [sflag:s29], $0x1  }
0x2c: {  	[sflag:s29] =	ssyncadd.s32 $0xFFFFFFFF  }
0x2d: {  	_ =	strace $0x9000004B  }
0x2e: {  	_ =	sfence  }
0x2f: {  	s30 =	sld [smem:$0x0];
	_ =	sdelay $0x2  }
0x30: {  	s31 =	sshll.u32 s1, $0xD;
	s1 =	sshrl.u32 s1, $0x2  }
0x31: {  	s3 =	sand.u32 $0x4000, s31;
	s1 =	sadd.s32 s1, s30  }
0x32: {  	s0 =	sor.u32 s3, s0;
	s1 =	sshll.u32 s1, $0x11  }
0x33: {  	s0 =	sor.u32 s1, s0  }
0x34: {  	s0 =	sadd.s32 $0x8F2B, s0  }
0x35: {  	[sflag:s0] =	ssyncadd.remote.s32 $0x1  }
0x36: {  	_ =	sfence.sel $0xFFFF  }
0x37: {  	[dreg:$0x0] =	wrdreg $0xFFFFFFFF;
	(pc) =	sbr.abs _section_cstart, $3  }
0x38: {  	[dreg:$0x1] =	wrdreg $0xFFFFFFFF  }
0x39: {  	_ =	task.clear_ibuf [dreg:s7], $0x2FFFF;
	_ =	strace $0x9FFFFFFF  }
0x3a: {  	(tm) =	ssettm $0x7FFFFFFF  }
0x3b: {  	_ =	shalt  }
tec
execute0_lowered:
.L_overlay_start_1:
0x0: {  	(tag) =	ssettag $0x1  }
0x1: {  	s0 =	srdreg.scid  }
0x2: {  	s1 =	sshll.u32 s0, $0x4  }
0x3: {  	s0 =	stileid.u32;
	s1 =	sand.u32 $0x10, s1  }
0x4: {  	s1 =	sor.u32 s0, s1  }
0x5: {  	s6 =	rddreg [dreg:$0x0];
	s4 =	simm.s32 $0x1;
	s2 =	sshll.u32 s1, $0x7  }
0x6: {  	s7 =	simm.s32 $0x2;
	s12 =	simm.s32 $0x0;
	s1 =	ssub.s32 $0x1000, s2  }
0x7: {  	s8 =	simm.s32 $0x8000;
	s13 =	simm.s32 $0x0;
	s3 =	sand.u32 $0xF80, s1  }
0x8: {  	s9 =	simm.s32 $0x0;
	s5 =	sshrl.u32 s1, $0xC;
	p0 =	sne.s32 s3, $0x0  }
.Ltmp0:
0x9: {  	s1 =	rddreg [dreg:$0x2];
	s4 =	simm.s32 @!p0 $0x0;
	(pc) =	sbr.rel .LBB1_1-.Ltmp0, $4  }
0xa: {  	s11 =	simm.s32 $0x0;
	s3 =	rddreg [dreg:$0x1];
	s5 =	sadd.s32 s4, s5  }
0xb: {  	_ =	strace $0x8000004A;
	s4 =	simm.s32 $0x1;
	s5 =	smul.u32 $0xC8, s5  }
0xc: {  	s6 =	sadd.s32 $0xC00, s6;
	s10 =	smov.u32 s2;
	[sflag:s4] =	ssyncpa.u1 $0x0  }
0xd: {  	p0 =	por $0x0, $0x0;
	[sflag:s7] =	ssyncpa.u1 $0x0;
	s7 =	sor.u32 $0x1, s5  }
.LBB1_4:
0xe: {  	s16 =	sshll.u32 s13, $0x3;
	s17 =	sand.u32 $0x78, s13  }
0xf: {  	s30 =	sand.u32 $0x7E00, s13;
	s12 =	sshll.u32 s12, $0xF;
	s16 =	sand.u32 $0xC00, s16  }
0x10: {  	[tilespmem:s15+$0x810 ss:$0x81] =	vst.msk $0xffff, v2;
	s31 =	sand.u32 $0x7, s13;
	s16 =	sor.u32 s17, s16;
	s17 =	sadd.s32 s3, s30  }
0x11: {  	[tilespmem:s15+$0x1020 ss:$0x81] =	vst.msk $0xffff, v0;
	s13 =	sshll.u32 s31, $0x12;
	s12 =	sadd.s32 s12, s17;
	s16 =	sshrl.u32 s16, $0x3  }
0x12: {  	[tilespmem:s15+$0x0 ss:$0x81] =	vst.msk $0xffff, v1;
	s13 =	sor.u32 $0x400, s13;
	s12 =	sadd.s32 s16, s12  }
0x13: {  	[hbm4b:s12+s13] =	stream.strided.scatter [tilespmem:s14], [sflag:$0x2], $0x2000, s8, s13, $0x20;
	[tilespmem:$0x8080] =	vst v63  }
.LBB1_5:
0x14: {  	s14 =	sadd.s32 $0x1, s9  }
0x15: {  	s12 =	sadd.s32 $0x1000, s10;
	s16 =	smov.u32 s10;
	p2 =	sgt.s32 s14, $0xC7  }
0x16: {  	s16 =	smov.u32 @p2 s12  }
0x17: {  	s14 =	simm.s32 @p2 $0x0;
	p2 =	sgt.s32 s16, $0xFFF  }
0x18: {  	s16 =	smov.u32 @p2 s2;
	p2 =	sne.s32 s11, s7  }
.Ltmp1:
0x19: {  	p1 =	slt.u32 s11, $0x2;
	(pc) =	sbr.rel @!p2 .LBB1_6-.Ltmp1, $4  }
0x1a: {  	s15 =	simm.s32 @!p1 $0x2  }
0x1b: {  	s13 =	smov.u32 s10;
	p0 =	por !p0, !p0;
	_ =	swait.ge @!p1 [sflag:s15], $0x2000  }
0x1c: {  	s12 =	smov.u32 s9;
	[sflag:s15] =	ssyncset.done @!p1 $0x0;
	s9 =	smov.u32 s14  }
0x1d: {  	s11 =	sadd.s32 $0x1, s11;
	[sflag:s15] =	ssyncadd.s32 @!p1 $0xFFFFE000;
	s10 =	smov.u32 s16  }
.LBB1_1:
0x1e: {  	p1 =	sge.u32 s11, s5  }
0x1f: {  	s14 =	sand.u32 @!p1 $0x1FFFFFF, s9  }
0x20: {  	s15 =	smulhi.u32 @!p1 $0x147AE15, s14;
	_ =	sdelay $0x1  }
0x21: {  	s15 =	smul.u32 @!p1 $0xC8, s15  }
0x22: {  	s16 =	sxor.u32 @!p1 $0xFFFFFFFF, s11;
	s17 =	smul.u32 @!p1 $0xC80, s10  }
0x23: {  	s31 =	sadd.s32 $0xFFFFFFFF, s11;
	s16 =	sshll.u32 @!p1 s16, $0xD;
	s14 =	ssub.s32 @!p1 s14, s15  }
0x24: {  	s15 =	sand.u32 @!p1 $0x2000, s16;
	s16 =	sadd.s32 @!p1 s6, s17;
	s14 =	sshll.u32 @!p1 s14, $0x4  }
0x25: {  	s17 =	simm.s32 @!p1 $0x6400;
	s14 =	sadd.s32 @!p1 s14, s16;
	s16 =	simm.s32 @!p1 $0x40  }
0x26: {  	[tilespmem:s15], [sflag:$0x1] =	stream.strided.gather @!p1 [hbm4b:s14+s16], $0x2000, s17, s16, $0x38;
	[tilespmem:$0x8080] =	vst v63  }
0x27: {  	p1 =	sge.u32 s31, s5  }
.Ltmp2:
0x28: {  	_ = 	snop;
	(pc) =	sbr.rel @p1 .LBB1_5-.Ltmp2, $1  }
0x29: {  	_ =	sdelay $0x3  }
0x2a: {  	s14 =	simm.s32 $0x1  }
0x2b: {  	_ =	swait.ge [sflag:s4], $0x2000;
	s14 =	simm.s32 @!p0 $0x0  }
0x2c: {  	[sflag:s4] =	ssyncset.done $0x0;
	s15 =	sshll.u32 s14, $0xD  }
0x2d: {  	[sflag:s4] =	ssyncadd.s32 $0xFFFFE000;
	s18 =	sor.u32 $0x20, s15  }
0x2e: {  	s14 =	smul.u32 $0x8100, s14;
	v3 =	vld [tilespmem:s18+$0x10]  }
0x2f: {  	s30 =	sand.u32 $0x1, s11;
	v2 =	vld [tilespmem:s18+$0xFFFFFFF0]  }
0x30: {  	s15 =	smul.u32 $0x8100, s30;
	s14 =	sshrl.u32 s14, $0x2;
	v0 =	vld [tilespmem:s18+$0x0]  }
0x31: {  	v1 =	vld [tilespmem:s18+$0xFFFFFFE0];
	s16 =	sor.u32 $0x4000, s14  }
0x32: {  	s31 =	sshrl.u32 s15, $0x2;
	s15 =	sadd.s32 $0x0, s16  }
0x33: {  	s17 =	simm.s32 $0x4;
	s18 =	sadd.s32 $0x40, s18;
	s14 =	sor.u32 $0x4000, s31;
	[tilespmem:s15+$0x1830 ss:$0x81] =	vst.msk $0xffff, v3  }
.LBB1_3:
0x34: {  	v3 =	vld [tilespmem:s18+$0x10];
	p1 =	sne.s32 s17, $0x1FC;
	[tilespmem:s15+$0x810 ss:$0x81] =	vst.msk $0xffff, v2;
	s19 =	smov.u32 s17;
	s17 =	sadd.s32 $0x4, s17  }
.Ltmp3:
0x35: {  	v2 =	vld [tilespmem:s18+$0xFFFFFFF0];
	[tilespmem:s15+$0x1020 ss:$0x81] =	vst.msk $0xffff, v0;
	(pc) =	sbr.rel @p1 .LBB1_3-.Ltmp3, $4  }
0x36: {  	v0 =	vld [tilespmem:s18+$0x0];
	[tilespmem:s15+$0x0 ss:$0x81] =	vst.msk $0xffff, v1  }
0x37: {  	s15 =	sshra.s32 s19, $0x2;
	v1 =	vld [tilespmem:s18+$0xFFFFFFE0]  }
0x38: {  	s15 =	sadd.s32 s15, s16  }
0x39: {  	s18 =	sadd.s32 $0x40, s18;
	[tilespmem:s15+$0x1830 ss:$0x81] =	vst.msk $0xffff, v3  }
.Ltmp4:
0x3a: {  	_ = 	snop;
	(pc) =	sbr.rel .LBB1_4-.Ltmp4, $1  }
0x3b: {  	_ =	sdelay $0x3  }
.LBB1_6:
0x3c: {  	_ =	sfence.sel $0x180000  }
0x3d: {  	s2 =	simm.s32 $0x1;
	[bflag:$0x0] =	sbarrier.arrive $0xFFFF  }
0x3e: {  	s31 =	simm.s32 $0x2;
	[sflag:s2] =	ssyncpa.u1 $0x1  }
0x3f: {  	[sflag:s31] =	ssyncpa.u1 $0x1  }
0x40: {  	p0 =	sne.s32 s0, $0x0;
	_ =	strace $0x9000004A  }
0x41: {  	s0 =	sadd.s32 @!p0 $0x100000, s1;
	[bflag:$0x2] =	sbarrier.arrive $0xFFFF  }
0x42: {  	[sflag:s0] =	ssyncadd.tile.s32 @!p0 $0x1;
	_ =	shalt  }
.Lfunc_end1:
_tile_overlayer_lowered:
.L_overlay_start_2:
0x43: {  	(tag) =	ssettag $0x2  }
0x44: {  	s0 =	rddreg [dreg:$0x0];
	s2 =	stileid.u32  }
0x45: {  	s1 =	rddreg [dreg:$0x1];
	p0 =	sne.s32 s2, $0x0  }
0x46: {  	s3 =	rddreg [dreg:$0x2];
	[bflag:$0x3] =	sbarrier.arrive $0xFFFF;
	s2 =	simm.s32 @!p0 $0x1C01  }
0x47: {  	[timem:s3], [sflag:s2] =	dma.local @!p0 [hbm:s0], s1  }
0x48: {  	s0 =	simm.s32 @!p0 $0x1  }
0x49: {  	_ =	swait.ge @!p0 [sflag:s0], s1  }
0x4a: {  	s1 =	ssub.s32 @!p0 $0x0, s1;
	[sflag:s0] =	ssyncset.done @!p0 $0x0  }
0x4b: {  	[sflag:s0] =	ssyncadd.s32 @!p0 s1  }
0x4c: {  	[bflag:$0x3] =	sbarrier.arrive $0xFFFF  }
0x4d: {  	_ =	shalt  }

</sc_bundles>
